<compile_context>
chip_gen: v7x
topology: tpu7x:2x2x1
jax: 0.10.2.dev20260603
libtpu: 0.0.44.dev20260713+nightly
codegen_flags: <defaults>
</compile_context>

<pallas_src>
import functools

import jax
import jax.numpy as jnp
from jax import lax
from jax.experimental import pallas as pl
from jax.experimental.pallas import tpu as pltpu
from jax.experimental.pallas import tpu_sc as plsc

N = 4
M = 512
D = 64
B = 2
HW = 56
P = B * HW * HW
NP = N * P
BLOCK_P = 6272
PB = P // BLOCK_P
NC = 2
NS = 16
NW = NC * NS
B_PER_W = NP // NW


def _conv2d(x, w, stride, pad):
    return lax.conv_general_dilated(
        x, w, (stride, stride), [(pad, pad), (pad, pad)],
        dimension_numbers=('NCHW', 'OIHW', 'NCHW'))


def _tconv2d(x, w, stride, pad):
    k = w.shape[2]
    wt = jnp.transpose(jnp.flip(w, (2, 3)), (1, 0, 2, 3))
    return lax.conv_general_dilated(
        x, wt, (1, 1), [(k - 1 - pad, k - 1 - pad)] * 2,
        lhs_dilation=(stride, stride),
        dimension_numbers=('NCHW', 'OIHW', 'NCHW'))


def _batchnorm(x):
    m = jnp.mean(x, axis=(0, 2, 3), keepdims=True)
    v = jnp.mean((x - m) ** 2, axis=(0, 2, 3), keepdims=True)
    return (x - m) / jnp.sqrt(v + 1e-5)


def _resblock(x, wa, wb):
    h = jax.nn.relu(x)
    h = _batchnorm(_conv2d(h, wa, 1, 1))
    h = jax.nn.relu(h)
    h = _batchnorm(_conv2d(h, wb, 1, 0))
    return x + h


def _encode(x, We1, We2, R1Wa, R1Wb, R2Wa, R2Wb, We3, be3):
    h = jax.nn.relu(_batchnorm(_conv2d(x, We1, 2, 1)))
    h = jax.nn.relu(_batchnorm(_conv2d(h, We2, 2, 1)))
    h = _resblock(h, R1Wa, R1Wb)
    h = _resblock(h, R2Wa, R2Wb)
    return _conv2d(h, We3, 1, 0) + be3[None, :, None, None]


def _batchnorm_1p(x):
    m = jnp.mean(x, axis=(0, 2, 3), keepdims=True)
    m2 = jnp.mean(x * x, axis=(0, 2, 3), keepdims=True)
    v = jnp.maximum(m2 - m * m, 0.0)
    return (x - m) / jnp.sqrt(v + 1e-5)


def _resblock_1p(x, wa, wb):
    h = jax.nn.relu(x)
    h = _batchnorm_1p(_conv2d(h, wa, 1, 1))
    h = jax.nn.relu(h)
    h = _batchnorm_1p(_conv2d(h, wb, 1, 0))
    return x + h


def _encode_1p(x, We1, We2, R1Wa, R1Wb, R2Wa, R2Wb, We3, be3):
    h = jax.nn.relu(_batchnorm_1p(_conv2d(x, We1, 2, 1)))
    h = jax.nn.relu(_batchnorm_1p(_conv2d(h, We2, 2, 1)))
    h = _resblock_1p(h, R1Wa, R1Wb)
    h = _resblock_1p(h, R2Wa, R2Wb)
    return _conv2d(h, We3, 1, 0) + be3[None, :, None, None]


def _vq_tc_body(x_ref, e_ref, idx_ref, md_ref, cnt_ref):
    n = pl.program_id(0)
    p = pl.program_id(1)
    x = x_ref[0]
    e = e_ref[0]
    e2 = jnp.sum(e * e, axis=1)
    x2 = jnp.sum(x * x, axis=1)
    xa = jnp.concatenate([x * -2.0, jnp.ones((BLOCK_P, 1), jnp.float32)], axis=1)
    ea = jnp.concatenate([e, e2[:, None]], axis=1)
    s = lax.dot_general(xa, ea, (((1,), (1,)), ((), ())),
                        preferred_element_type=jnp.float32)
    ms = jnp.min(s, axis=1, keepdims=True)
    iot = lax.broadcasted_iota(jnp.int32, s.shape, 1)
    idx = jnp.min(jnp.where(s == ms, iot, M), axis=1,
                  keepdims=True)
    idx_ref[0] = idx + n * M
    md_ref[0] = ms + x2[:, None]
    onehot = (iot == idx).astype(jnp.float32)
    ones8 = jnp.ones((8, BLOCK_P), jnp.float32)
    onehot_cnt = lax.dot_general(ones8, onehot, (((1,), (0,)), ((), ())),
                                 preferred_element_type=jnp.float32)[0:1]

    @pl.when(p == 0)
    def _init():
        cnt_ref[0] = onehot_cnt

    @pl.when(p > 0)
    def _acc():
        cnt_ref[0] += onehot_cnt


def _vq_argmin(x_flat, embedding):
    return pl.pallas_call(
        _vq_tc_body,
        grid=(N, PB),
        in_specs=[
            pl.BlockSpec((1, BLOCK_P, D), lambda n, p: (n, p, 0)),
            pl.BlockSpec((1, M, D), lambda n, p: (n, 0, 0)),
        ],
        out_specs=[
            pl.BlockSpec((1, BLOCK_P, 1), lambda n, p: (n, p, 0)),
            pl.BlockSpec((1, BLOCK_P, 1), lambda n, p: (n, p, 0)),
            pl.BlockSpec((1, 1, M), lambda n, p: (n, 0, 0)),
        ],
        out_shape=[
            jax.ShapeDtypeStruct((N, P, 1), jnp.int32),
            jax.ShapeDtypeStruct((N, P, 1), jnp.float32),
            jax.ShapeDtypeStruct((N, 1, M), jnp.float32),
        ],
    )(x_flat, embedding)


@functools.lru_cache(maxsize=1)
def _build_sc_gather():
    mesh = plsc.VectorSubcoreMesh(
        core_axis_name="c", subcore_axis_name="s",
        num_cores=NC, num_subcores=NS)

    @functools.partial(
        pl.kernel,
        mesh=mesh,
        out_type=jax.ShapeDtypeStruct((NP, D), jnp.float32),
        scratch_types=[
            pltpu.VMEM((B_PER_W,), jnp.int32),
            pltpu.VMEM((B_PER_W, D), jnp.float32),
            pltpu.SemaphoreType.DMA,
        ],
        compiler_params=pltpu.CompilerParams(use_tc_tiling_on_sc=False),
    )
    def sc_gather(table_hbm, idx_hbm, out_hbm, idx_v, rows_v, sem):
        wid = lax.axis_index("s") * NC + lax.axis_index("c")
        base = wid * B_PER_W
        pltpu.sync_copy(idx_hbm.at[pl.ds(base, B_PER_W)], idx_v)
        pltpu.async_copy(table_hbm.at[idx_v], rows_v, sem).wait()
        pltpu.sync_copy(rows_v, out_hbm.at[pl.ds(base, B_PER_W)])

    return sc_gather


def _sc_gather(table, gidx):
    return _build_sc_gather()(table, gidx)


def kernel(x, We1, We2, R1Wa, R1Wb, R2Wa, R2Wb, We3, be3, embedding,
           Wd1, R3Wa, R3Wb, R4Wa, R4Wb, Wt1, Wt2, Wd2, bd2):
    (bx, bWe1, bWe2, bR1Wa, bR1Wb, bR2Wa, bR2Wb, bWe3, bbe3, bemb) = \
        lax.optimization_barrier(
            (x, We1, We2, R1Wa, R1Wb, R2Wa, R2Wb, We3, be3, embedding))
    hb = _encode_1p(bx, bWe1, bWe2, bR1Wa, bR1Wb, bR2Wa, bR2Wb, bWe3, bbe3)
    xpb = jnp.transpose(hb.reshape(B, N, D, HW, HW), (1, 0, 3, 4, 2))
    x_flat_b = xpb.reshape(N, P, D)
    gidx, mind, counts = _vq_argmin(x_flat_b, bemb)
    quant_flat = _sc_gather(bemb.reshape(N * M, D), gidx.reshape(NP))
    quant_b = quant_flat.reshape(N, B, HW, HW, D)
    loss = 0.25 * jnp.mean((xpb - quant_b) ** 2)
    avg_probs = counts.reshape(N, M) / P
    perplexity = jnp.sum(
        jnp.exp(-jnp.sum(avg_probs * jnp.log(avg_probs + 1e-10), axis=-1)))

    h = _encode(x, We1, We2, R1Wa, R1Wb, R2Wa, R2Wb, We3, be3)
    Bs, C, H, W = h.shape
    Nn, Mm, Dd = embedding.shape
    xp = jnp.transpose(h.reshape(Bs, Nn, Dd, H, W), (1, 0, 3, 4, 2))
    x_flat = lax.stop_gradient(xp).reshape(Nn, -1, Dd)
    dist = jnp.sum(embedding ** 2, axis=2)[:, None, :] \
        + jnp.sum(x_flat ** 2, axis=2, keepdims=True) \
        - 2.0 * jnp.einsum('npd,nmd->npm', x_flat, embedding)
    indices = jnp.argmin(dist, axis=-1)
    quant = embedding[jnp.arange(Nn)[:, None], indices]
    quant = quant.reshape(Nn, Bs, H, W, Dd)
    quant_st = xp + lax.stop_gradient(quant - xp)
    xq = jnp.transpose(quant_st, (1, 0, 4, 2, 3)).reshape(Bs, C, H, W)

    g = _batchnorm(_conv2d(xq, Wd1, 1, 0))
    g = _resblock(g, R3Wa, R3Wb)
    g = _resblock(g, R4Wa, R4Wb)
    g = jax.nn.relu(_batchnorm(_tconv2d(g, Wt1, 2, 1)))
    g = jax.nn.relu(_batchnorm(_tconv2d(g, Wt2, 2, 1)))
    g = _conv2d(g, Wd2, 1, 0) + bd2[None, :, None, None]
    Bx, Hx, Wx = g.shape[0], g.shape[2], g.shape[3]
    logits = jnp.transpose(g.reshape(Bx, 3, 256, Hx, Wx), (0, 1, 3, 4, 2))
    return (logits, loss, perplexity)

# --- scband reference (transcript-rebuilt; emitter-appended) ---
"""Pipeline reference for scband-vqvae-23811298689888 (READ-ONLY COPY).

The authoritative reference and input builder live on the scoring server;
editing this copy changes nothing except your own understanding.
"""

import jax, jax.numpy as jnp
import numpy as np
from jax import lax


def _conv(x, w, stride, pad):
    return lax.conv_general_dilated(x, w, (stride, stride), [(pad, pad), (pad, pad)], dimension_numbers=('NCHW', 'OIHW', 'NCHW'))


def _conv_t(x, w, stride, pad):
    k = w.shape[2]
    wt = jnp.transpose(jnp.flip(w, (2, 3)), (1, 0, 2, 3))
    return lax.conv_general_dilated(x, wt, (1, 1), [(k - 1 - pad, k - 1 - pad)] * 2, lhs_dilation=(stride, stride), dimension_numbers=('NCHW', 'OIHW', 'NCHW'))


def _bn(x):
    m = jnp.mean(x, axis=(0, 2, 3), keepdims=True)
    v = jnp.mean((x - m) ** 2, axis=(0, 2, 3), keepdims=True)
    return (x - m) / jnp.sqrt(v + 1e-5)


def _residual(x, wa, wb):
    h = jax.nn.relu(x)
    h = _bn(_conv(h, wa, 1, 1))
    h = jax.nn.relu(h)
    h = _bn(_conv(h, wb, 1, 0))
    return x + h


def setup_inputs(seed: int = 0):
    key = jax.random.key(seed)
    ks = jax.random.split(key, 20)
    C = 96
    NLAT = 4
    M = 512
    D = 64
    ND = NLAT * D

    def w(k, shape, s):
        return jax.random.normal(k, shape, dtype=jnp.float32) * s

    inp = {}
    inp['x'] = jax.random.normal(ks[0], (2, 3, 224, 224), dtype=jnp.float32)
    inp['We1'] = w(ks[1], (C, 3, 4, 4), 0.08)
    inp['We2'] = w(ks[2], (C, C, 4, 4), 0.02)
    inp['R1Wa'] = w(ks[3], (C, C, 3, 3), 0.03)
    inp['R1Wb'] = w(ks[4], (C, C, 1, 1), 0.08)
    inp['R2Wa'] = w(ks[5], (C, C, 3, 3), 0.03)
    inp['R2Wb'] = w(ks[6], (C, C, 1, 1), 0.08)
    inp['We3'] = w(ks[7], (ND, C, 1, 1), 0.08)
    inp['be3'] = jnp.zeros((ND,), dtype=jnp.float32)
    inp['embedding'] = jax.random.uniform(ks[8], (NLAT, M, D), minval=-1.0 / M, maxval=1.0 / M, dtype=jnp.float32)
    inp['Wd1'] = w(ks[9], (C, ND, 1, 1), 0.06)
    inp['R3Wa'] = w(ks[10], (C, C, 3, 3), 0.03)
    inp['R3Wb'] = w(ks[11], (C, C, 1, 1), 0.08)
    inp['R4Wa'] = w(ks[12], (C, C, 3, 3), 0.03)
    inp['R4Wb'] = w(ks[13], (C, C, 1, 1), 0.08)
    inp['Wt1'] = w(ks[14], (C, C, 4, 4), 0.02)
    inp['Wt2'] = w(ks[15], (C, C, 4, 4), 0.02)
    inp['Wd2'] = w(ks[16], (768, C, 1, 1), 0.08)
    inp['bd2'] = jnp.zeros((768,), dtype=jnp.float32)
    return inp


def reference(x, We1, We2, R1Wa, R1Wb, R2Wa, R2Wb, We3, be3, embedding, Wd1, R3Wa, R3Wb, R4Wa, R4Wb, Wt1, Wt2, Wd2, bd2):
    # Encoder
    h = jax.nn.relu(_bn(_conv(x, We1, 2, 1)))
    h = jax.nn.relu(_bn(_conv(h, We2, 2, 1)))
    h = _residual(h, R1Wa, R1Wb)
    h = _residual(h, R2Wa, R2Wb)
    h = _conv(h, We3, 1, 0) + be3[None, :, None, None]
    # VQ codebook (EMA buffer updates skipped: they do not affect forward output)
    B, C, H, W = h.shape
    N, M, D = embedding.shape
    xp = jnp.transpose(h.reshape(B, N, D, H, W), (1, 0, 3, 4, 2))  # [N,B,H,W,D]
    x_flat = lax.stop_gradient(xp).reshape(N, -1, D)
    dist = jnp.sum(embedding ** 2, axis=2)[:, None, :] + jnp.sum(x_flat ** 2, axis=2, keepdims=True) - 2.0 * jnp.einsum('npd,nmd->npm', x_flat, embedding)
    indices = jnp.argmin(dist, axis=-1)  # [N, B*H*W]
    quant = embedding[jnp.arange(N)[:, None], indices]  # [N, B*H*W, D]
    quant = quant.reshape(N, B, H, W, D)
    e_latent_loss = jnp.mean((xp - lax.stop_gradient(quant)) ** 2)
    loss = 0.25 * e_latent_loss
    quant_st = xp + lax.stop_gradient(quant - xp)
    enc = jax.nn.one_hot(indices, M, dtype=jnp.float32)
    avg_probs = jnp.mean(enc, axis=1)
    perplexity = jnp.sum(jnp.exp(-jnp.sum(avg_probs * jnp.log(avg_probs + 1e-10), axis=-1)))
    xq = jnp.transpose(quant_st, (1, 0, 4, 2, 3)).reshape(B, C, H, W)
    # Decoder
    g = _bn(_conv(xq, Wd1, 1, 0))
    g = _residual(g, R3Wa, R3Wb)
    g = _residual(g, R4Wa, R4Wb)
    g = jax.nn.relu(_bn(_conv_t(g, Wt1, 2, 1)))
    g = jax.nn.relu(_bn(_conv_t(g, Wt2, 2, 1)))
    g = _conv(g, Wd2, 1, 0) + bd2[None, :, None, None]
    Bx = g.shape[0]
    Hx = g.shape[2]
    Wx = g.shape[3]
    logits = jnp.transpose(g.reshape(Bx, 3, 256, Hx, Wx), (0, 1, 3, 4, 2))
    return (logits, loss, perplexity)

if __name__ == "__main__":
    import jax
    _d = setup_inputs()
    print(jax.jit(kernel)(*tuple(_d.values())))

</pallas_src>

<mosaic_0001>
#map = affine_map<(d0, d1) -> (0, 0)>
#map1 = affine_map<(d0, d1) -> (0)>
module attributes {stable_mosaic.version = 14 : i64} {
  func.func @sc_gather(%arg0: i32, %arg1: i32, %arg2: memref<2048x64xf32, #tpu.memory_space<hbm>>, %arg3: memref<25088xi32, #tpu.memory_space<hbm>>, %arg4: memref<25088x64xf32, #tpu.memory_space<hbm>>, %arg5: memref<784xi32, #tpu.memory_space<vmem>>, %arg6: memref<784x64xf32, #tpu.memory_space<vmem>>, %arg7: memref<!tpu.dma_semaphore, #tpu.memory_space<semaphore_mem>>) attributes {dimension_semantics = [#tpu.dimension_semantics<core_parallel>, #tpu.dimension_semantics<subcore_parallel>], iteration_bounds = array<i64: 2, 16>, scalar_prefetch = 0 : i64, scratch_operands = 3 : i64, tpu.core_type = #tpu.core_type<sc_vector_subcore>, window_params = [{transform_indices = #map}, {transform_indices = #map1}, {transform_indices = #map}]} {
    %mul3A = arith.constant 2 : i32
    %mul3A_0 = arith.muli %arg1, %mul3A : i32
    %add3A = arith.addi %mul3A_0, %arg0 : i32
    %mul3A_1 = arith.constant 784 : i32
    %mul3A_2 = arith.muli %add3A, %mul3A_1 : i32
    "tpu.region"() ({
      %run_scoped3A = tpu.sem_alloc : memref<!tpu.dma_semaphore, #tpu.memory_space<semaphore_mem>>
      %dma_start3A_7 = tpu.memref_slice %arg3[%mul3A_2] : memref<25088xi32, #tpu.memory_space<hbm>> -> memref<784xi32, #tpu.memory_space<hbm>>
      %dma_start3A_8 = tpu.memref_slice %arg3[%mul3A_2] : memref<25088xi32, #tpu.memory_space<hbm>> -> memref<784xi32, #tpu.memory_space<hbm>>
      tpu.enqueue_dma source(%dma_start3A_8 : memref<784xi32, #tpu.memory_space<hbm>>) target(%arg5 : memref<784xi32, #tpu.memory_space<vmem>>) target_semaphore(%run_scoped3A : memref<!tpu.dma_semaphore, #tpu.memory_space<semaphore_mem>>)
      %dma_wait3A_9 = tpu.memref_slice %arg3[%mul3A_2] : memref<25088xi32, #tpu.memory_space<hbm>> -> memref<784xi32, #tpu.memory_space<hbm>>
      %dma_wait3A_10 = tpu.memref_slice %arg3[%mul3A_2] : memref<25088xi32, #tpu.memory_space<hbm>> -> memref<784xi32, #tpu.memory_space<hbm>>
      tpu.wait_dma2 semaphore(%run_scoped3A : memref<!tpu.dma_semaphore, #tpu.memory_space<semaphore_mem>>) src(%dma_wait3A_10 : memref<784xi32, #tpu.memory_space<hbm>>) dst(%arg5 : memref<784xi32, #tpu.memory_space<vmem>>)
      tpu.yield
    }) : () -> ()
    %dma_start3A = arith.constant 0 : i32
    %dma_start3A_3 = arith.constant 0 : i32
    %dma_start3A_4 = tpu.memref_slice %arg2[%dma_start3A, %dma_start3A_3] : memref<2048x64xf32, #tpu.memory_space<hbm>> -> memref<2048x64xf32, #tpu.memory_space<hbm>>
    tpu.enqueue_indirect_dma source(%dma_start3A_4 : memref<2048x64xf32, #tpu.memory_space<hbm>>) target(%arg6 : memref<784x64xf32, #tpu.memory_space<vmem>>) offsets(%arg5 : memref<784xi32, #tpu.memory_space<vmem>>) semaphore(%arg7 : memref<!tpu.dma_semaphore, #tpu.memory_space<semaphore_mem>>)
    %dma_wait3A = arith.constant 0 : i32
    %dma_wait3A_5 = arith.constant 0 : i32
    %dma_wait3A_6 = tpu.memref_slice %arg2[%dma_wait3A, %dma_wait3A_5] : memref<2048x64xf32, #tpu.memory_space<hbm>> -> memref<2048x64xf32, #tpu.memory_space<hbm>>
    tpu.wait_indirect_dma semaphore(%arg7 : memref<!tpu.dma_semaphore, #tpu.memory_space<semaphore_mem>>) src(%dma_wait3A_6 : memref<2048x64xf32, #tpu.memory_space<hbm>>) dst(%arg6 : memref<784x64xf32, #tpu.memory_space<vmem>>)
    "tpu.region"() ({
      %run_scoped3A = tpu.sem_alloc : memref<!tpu.dma_semaphore, #tpu.memory_space<semaphore_mem>>
      %dma_start3A_7 = arith.constant 0 : i32
      %dma_start3A_8 = tpu.memref_slice %arg4[%mul3A_2, %dma_start3A_7] : memref<25088x64xf32, #tpu.memory_space<hbm>> -> memref<784x64xf32, #tpu.memory_space<hbm>>
      %dma_start3A_9 = arith.constant 0 : i32
      %dma_start3A_10 = tpu.memref_slice %arg4[%mul3A_2, %dma_start3A_9] : memref<25088x64xf32, #tpu.memory_space<hbm>> -> memref<784x64xf32, #tpu.memory_space<hbm>>
      tpu.enqueue_dma source(%arg6 : memref<784x64xf32, #tpu.memory_space<vmem>>) target(%dma_start3A_10 : memref<784x64xf32, #tpu.memory_space<hbm>>) target_semaphore(%run_scoped3A : memref<!tpu.dma_semaphore, #tpu.memory_space<semaphore_mem>>)
      %dma_wait3A_11 = arith.constant 0 : i32
      %dma_wait3A_12 = tpu.memref_slice %arg4[%mul3A_2, %dma_wait3A_11] : memref<25088x64xf32, #tpu.memory_space<hbm>> -> memref<784x64xf32, #tpu.memory_space<hbm>>
      %dma_wait3A_13 = arith.constant 0 : i32
      %dma_wait3A_14 = tpu.memref_slice %arg4[%mul3A_2, %dma_wait3A_13] : memref<25088x64xf32, #tpu.memory_space<hbm>> -> memref<784x64xf32, #tpu.memory_space<hbm>>
      tpu.wait_dma2 semaphore(%run_scoped3A : memref<!tpu.dma_semaphore, #tpu.memory_space<semaphore_mem>>) src(%arg6 : memref<784x64xf32, #tpu.memory_space<vmem>>) dst(%dma_wait3A_14 : memref<784x64xf32, #tpu.memory_space<hbm>>)
      tpu.yield
    }) : () -> ()
    return
  }
}

module attributes {stable_mosaic.version = 14 : i64} {
  func.func @_vq_tc_body(%arg0: i32, %arg1: i32, %arg2: memref<1x6272x64xf32, #tpu.memory_space<vmem>>, %arg3: memref<1x512x64xf32, #tpu.memory_space<vmem>>, %arg4: memref<1x6272x1xi32, #tpu.memory_space<vmem>>, %arg5: memref<1x6272x1xf32, #tpu.memory_space<vmem>>, %arg6: memref<1x1x512xf32, #tpu.memory_space<vmem>>) attributes {dimension_semantics = [#tpu.dimension_semantics<arbitrary>, #tpu.dimension_semantics<arbitrary>], iteration_bounds = array<i64: 4, 1>, scalar_prefetch = 0 : i64, scratch_operands = 0 : i64, tpu.core_type = #tpu.core_type<tc>, window_params = [{transform_indices = @transform_0, window_bounds = array<i64: 1, 6272, 64>}, {transform_indices = @transform_1, window_bounds = array<i64: 1, 512, 64>}, {transform_indices = @transform_2, window_bounds = array<i64: 1, 6272, 1>}, {transform_indices = @transform_3, window_bounds = array<i64: 1, 6272, 1>}, {transform_indices = @transform_4, window_bounds = array<i64: 1, 1, 512>}]} {
    %get3A = arith.constant 0 : index
    %get3A_0 = arith.constant 0 : index
    %get3A_1 = arith.constant 0 : index
    %get3A_2 = vector.load %arg2[%get3A, %get3A_0, %get3A_1] : memref<1x6272x64xf32, #tpu.memory_space<vmem>>, vector<1x6272x64xf32>
    %get3A_3 = vector.shape_cast %get3A_2 : vector<1x6272x64xf32> to vector<6272x64xf32>
    %get3A_4 = arith.constant 0 : index
    %get3A_5 = arith.constant 0 : index
    %get3A_6 = arith.constant 0 : index
    %get3A_7 = vector.load %arg3[%get3A_4, %get3A_5, %get3A_6] : memref<1x512x64xf32, #tpu.memory_space<vmem>>, vector<1x512x64xf32>
    %get3A_8 = vector.shape_cast %get3A_7 : vector<1x512x64xf32> to vector<512x64xf32>
    %mul3A = arith.mulf %get3A_8, %get3A_8 : vector<512x64xf32>
    %reduce_sum3A = arith.constant dense<0.000000e+00> : vector<512xf32>
    %reduce_sum3A_9 = vector.multi_reduction <add>, %mul3A, %reduce_sum3A [1] : vector<512x64xf32> to vector<512xf32>
    %mul3A_10 = arith.mulf %get3A_3, %get3A_3 : vector<6272x64xf32>
    %reduce_sum3A_11 = arith.constant dense<0.000000e+00> : vector<6272xf32>
    %reduce_sum3A_12 = vector.multi_reduction <add>, %mul3A_10, %reduce_sum3A_11 [1] : vector<6272x64xf32> to vector<6272xf32>
    %mul3A_13 = arith.constant -2.000000e+00 : f32
    %mul3A_14 = vector.broadcast %mul3A_13 : f32 to vector<6272x64xf32>
    %mul3A_15 = arith.mulf %get3A_3, %mul3A_14 : vector<6272x64xf32>
    %broadcast_in_dim3A = arith.constant 1.000000e+00 : f32
    %broadcast_in_dim3A_16 = vector.broadcast %broadcast_in_dim3A : f32 to vector<6272x1xf32>
    %concatenate3A = tpu.concatenate %mul3A_15, %broadcast_in_dim3A_16 in 1 : vector<6272x64xf32>, vector<6272x1xf32> -> vector<6272x65xf32>
    %broadcast_in_dim3A_17 = vector.shape_cast %reduce_sum3A_9 : vector<512xf32> to vector<512x1xf32>
    %concatenate3A_18 = tpu.concatenate %get3A_8, %broadcast_in_dim3A_17 in 1 : vector<512x64xf32>, vector<512x1xf32> -> vector<512x65xf32>
    %dot_general3A = arith.constant dense<0.000000e+00> : vector<6272x512xf32>
    %dot_general3A_19 = tpu.matmul %concatenate3A, %concatenate3A_18, %dot_general3A {dimension_numbers = #tpu.dot_dimension_numbers<[1], [1], [0], [0], [0, 0, 1, 0], [], []>, transpose_lhs_hint = false} : vector<6272x65xf32>, vector<512x65xf32>, vector<6272x512xf32> -> vector<6272x512xf32>
    %reduce_min3A = arith.constant dense<0x7F800000> : vector<6272xf32>
    %reduce_min3A_20 = vector.multi_reduction <minimumf>, %dot_general3A_19, %reduce_min3A [1] : vector<6272x512xf32> to vector<6272xf32>
    %broadcast_in_dim3A_21 = vector.shape_cast %reduce_min3A_20 : vector<6272xf32> to vector<6272x1xf32>
    %iota3A = tpu.iota {dimensions = array<i32: 1>} : vector<6272x512xi32>
    %eq3A = vector.broadcast %broadcast_in_dim3A_21 : vector<6272x1xf32> to vector<6272x512xf32>
    %eq3A_22 = arith.cmpf oeq, %dot_general3A_19, %eq3A : vector<6272x512xf32>
    %jit3A = arith.constant 512 : i32
    %broadcast_in_dim3A_23 = vector.broadcast %jit3A : i32 to vector<6272x512xi32>
    %select_n3A = arith.select %eq3A_22, %iota3A, %broadcast_in_dim3A_23 : vector<6272x512xi1>, vector<6272x512xi32>
    %reduce_min3A_24 = arith.constant dense<2147483647> : vector<6272xi32>
    %reduce_min3A_25 = vector.multi_reduction <minsi>, %select_n3A, %reduce_min3A_24 [1] : vector<6272x512xi32> to vector<6272xi32>
    %broadcast_in_dim3A_26 = vector.shape_cast %reduce_min3A_25 : vector<6272xi32> to vector<6272x1xi32>
    %mul3A_27 = arith.constant 512 : i32
    %mul3A_28 = arith.muli %arg0, %mul3A_27 : i32
    %add3A = vector.broadcast %mul3A_28 : i32 to vector<6272x1xi32>
    %add3A_29 = arith.addi %broadcast_in_dim3A_26, %add3A : vector<6272x1xi32>
    %swap3A = arith.constant 0 : index
    %swap3A_30 = arith.constant 0 : index
    %swap3A_31 = arith.constant 0 : index
    %swap3A_32 = vector.load %arg4[%swap3A, %swap3A_30, %swap3A_31] : memref<1x6272x1xi32, #tpu.memory_space<vmem>>, vector<1x6272x1xi32>
    %swap3A_33 = vector.shape_cast %swap3A_32 : vector<1x6272x1xi32> to vector<6272x1xi32>
    %swap3A_34 = vector.shape_cast %add3A_29 : vector<6272x1xi32> to vector<1x6272x1xi32>
    tpu.vector_store %arg4[%swap3A, %swap3A_30, %swap3A_31], %swap3A_34 {strides = array<i32>} : memref<1x6272x1xi32, #tpu.memory_space<vmem>>, vector<1x6272x1xi32>,
    %broadcast_in_dim3A_35 = vector.shape_cast %reduce_sum3A_12 : vector<6272xf32> to vector<6272x1xf32>
    %add3A_36 = arith.addf %broadcast_in_dim3A_21, %broadcast_in_dim3A_35 : vector<6272x1xf32>
    %swap3A_37 = arith.constant 0 : index
    %swap3A_38 = arith.constant 0 : index
    %swap3A_39 = arith.constant 0 : index
    %swap3A_40 = vector.load %arg5[%swap3A_37, %swap3A_38, %swap3A_39] : memref<1x6272x1xf32, #tpu.memory_space<vmem>>, vector<1x6272x1xf32>
    %swap3A_41 = vector.shape_cast %swap3A_40 : vector<1x6272x1xf32> to vector<6272x1xf32>
    %swap3A_42 = vector.shape_cast %add3A_36 : vector<6272x1xf32> to vector<1x6272x1xf32>
    tpu.vector_store %arg5[%swap3A_37, %swap3A_38, %swap3A_39], %swap3A_42 {strides = array<i32>} : memref<1x6272x1xf32, #tpu.memory_space<vmem>>, vector<1x6272x1xf32>,
    %eq3A_43 = vector.broadcast %broadcast_in_dim3A_26 : vector<6272x1xi32> to vector<6272x512xi32>
    %eq3A_44 = arith.cmpi eq, %iota3A, %eq3A_43 : vector<6272x512xi32>
    %convert_element_type3A = arith.extui %eq3A_44 : vector<6272x512xi1> to vector<6272x512xi32>
    %convert_element_type3A_45 = arith.sitofp %convert_element_type3A : vector<6272x512xi32> to vector<6272x512xf32>
    %broadcast_in_dim3A_46 = arith.constant 1.000000e+00 : f32
    %broadcast_in_dim3A_47 = vector.broadcast %broadcast_in_dim3A_46 : f32 to vector<8x6272xf32>
    %dot_general3A_48 = arith.constant dense<0.000000e+00> : vector<8x512xf32>
    %dot_general3A_49 = tpu.matmul %broadcast_in_dim3A_47, %convert_element_type3A_45, %dot_general3A_48 {dimension_numbers = #tpu.dot_dimension_numbers<[1], [0], [0], [1], [0, 0, 1, 1], [], []>, transpose_lhs_hint = false} : vector<8x6272xf32>, vector<6272x512xf32>, vector<8x512xf32> -> vector<8x512xf32>
    %slice3A = vector.extract_strided_slice %dot_general3A_49 {offsets = [0, 0], sizes = [1, 512], strides = [1, 1]} : vector<8x512xf32> to vector<1x512xf32>
    %eq3A_50 = arith.constant 0 : i32
    %eq3A_51 = arith.cmpi eq, %arg1, %eq3A_50 : i32
    %convert_element_type3A_52 = arith.extui %eq3A_51 : i1 to i32
    %cond3A = arith.constant 0 : i32
    %cond3A_53 = arith.cmpi ne, %convert_element_type3A_52, %cond3A : i32
    scf.if %cond3A_53 {
      %swap3A_58 = arith.constant 0 : index
      %swap3A_59 = arith.constant 0 : index
      %swap3A_60 = arith.constant 0 : index
      %swap3A_61 = vector.load %arg6[%swap3A_58, %swap3A_59, %swap3A_60] : memref<1x1x512xf32, #tpu.memory_space<vmem>>, vector<1x1x512xf32>
      %swap3A_62 = vector.shape_cast %swap3A_61 : vector<1x1x512xf32> to vector<1x512xf32>
      %swap3A_63 = vector.shape_cast %slice3A : vector<1x512xf32> to vector<1x1x512xf32>
      tpu.vector_store %arg6[%swap3A_58, %swap3A_59, %swap3A_60], %swap3A_63 {strides = array<i32>} : memref<1x1x512xf32, #tpu.memory_space<vmem>>, vector<1x1x512xf32>,
    } else {
    }
    %gt3A = arith.constant 0 : i32
    %gt3A_54 = arith.cmpi sgt, %arg1, %gt3A : i32
    %convert_element_type3A_55 = arith.extui %gt3A_54 : i1 to i32
    %cond3A_56 = arith.constant 0 : i32
    %cond3A_57 = arith.cmpi ne, %convert_element_type3A_55, %cond3A_56 : i32
    scf.if %cond3A_57 {
      %get3A_58 = arith.constant 0 : index
      %get3A_59 = arith.constant 0 : index
      %get3A_60 = arith.constant 0 : index
      %get3A_61 = vector.load %arg6[%get3A_58, %get3A_59, %get3A_60] : memref<1x1x512xf32, #tpu.memory_space<vmem>>, vector<1x1x512xf32>
      %get3A_62 = vector.shape_cast %get3A_61 : vector<1x1x512xf32> to vector<1x512xf32>
      %add3A_63 = arith.addf %get3A_62, %slice3A : vector<1x512xf32>
      %swap3A_64 = arith.constant 0 : index
      %swap3A_65 = arith.constant 0 : index
      %swap3A_66 = arith.constant 0 : index
      %swap3A_67 = vector.load %arg6[%swap3A_64, %swap3A_65, %swap3A_66] : memref<1x1x512xf32, #tpu.memory_space<vmem>>, vector<1x1x512xf32>
      %swap3A_68 = vector.shape_cast %swap3A_67 : vector<1x1x512xf32> to vector<1x512xf32>
      %swap3A_69 = vector.shape_cast %add3A_63 : vector<1x512xf32> to vector<1x1x512xf32>
      tpu.vector_store %arg6[%swap3A_64, %swap3A_65, %swap3A_66], %swap3A_69 {strides = array<i32>} : memref<1x1x512xf32, #tpu.memory_space<vmem>>, vector<1x1x512xf32>,
    } else {
    }
    return
  }
  func.func @transform_0(%arg0: i32, %arg1: i32) -> (i32, i32, i32) {
    %c0_i32 = arith.constant 0 : i32
    %c0_i32_0 = arith.constant 0 : i32
    return %arg0, %arg1, %c0_i32 : i32, i32, i32
  }
  func.func @transform_1(%arg0: i32, %arg1: i32) -> (i32, i32, i32) {
    %c0_i32 = arith.constant 0 : i32
    %c0_i32_0 = arith.constant 0 : i32
    %c0_i32_1 = arith.constant 0 : i32
    return %arg0, %c0_i32, %c0_i32_0 : i32, i32, i32
  }
  func.func @transform_2(%arg0: i32, %arg1: i32) -> (i32, i32, i32) {
    %c0_i32 = arith.constant 0 : i32
    %c0_i32_0 = arith.constant 0 : i32
    return %arg0, %arg1, %c0_i32 : i32, i32, i32
  }
  func.func @transform_3(%arg0: i32, %arg1: i32) -> (i32, i32, i32) {
    %c0_i32 = arith.constant 0 : i32
    %c0_i32_0 = arith.constant 0 : i32
    return %arg0, %arg1, %c0_i32 : i32, i32, i32
  }
  func.func @transform_4(%arg0: i32, %arg1: i32) -> (i32, i32, i32) {
    %c0_i32 = arith.constant 0 : i32
    %c0_i32_0 = arith.constant 0 : i32
    %c0_i32_1 = arith.constant 0 : i32
    return %arg0, %c0_i32, %c0_i32_0 : i32, i32, i32
  }
}

</mosaic_0001>

<sc_bundles>
// kernel: kernel.4.cloned.1.call-start
scs
__scs_entry_jumppad:
0x0: {  	(pc) =	sbr.rel $0x88, $3  }
0x1: {  	(tag) =	ssettag $0x0;
	lr =	simm.s32 $0x1  }
0x2: {  	[smem:$0x3F8E] =	sst lr;
	_ =	strace $0xD0000000  }
0x3: {  	_ = 	snop  }
0x4: {  	_ = 	snop  }
0x5: {  	_ = 	snop  }
0x6: {  	_ = 	snop  }
0x7: {  	_ = 	snop  }
__scs_overlays_trampoline_lowered:
0x8: {  	[smem:$0x3F9D] =	sst s0  }
0x9: {  	[smem:$0x3F9E] =	sst s1  }
0xa: {  	[smem:$0x3F9F] =	sst s2  }
0xb: {  	[smem:$0x3FA0] =	sst s3  }
0xc: {  	[smem:$0x3FA1] =	sst s4  }
0xd: {  	[smem:$0x3FA2] =	sst s5  }
0xe: {  	[smem:$0x3FA3] =	sst s6  }
0xf: {  	[smem:$0x3FA4] =	sst s7  }
0x10: {  	[smem:$0x3FA5] =	sst s8  }
0x11: {  	[smem:$0x3FA6] =	sst s9;
	s0 =	simm.s32 @!p0 $0x0  }
0x12: {  	s1 =	sld [smem:$0x3F8C];
	s0 =	simm.s32 @p0 $0x1  }
0x13: {  	[smem:$0x3FA7] =	sst s0;
	s0 =	simm.s32 @!p1 $0x0  }
0x14: {  	s2 =	sld [smem:$0x3F8B];
	s0 =	simm.s32 @p1 $0x1  }
0x15: {  	[smem:$0x3FA8] =	sst s0;
	s0 =	simm.s32 @!p2 $0x0  }
0x16: {  	s3 =	sld [smem:$0x3FDB];
	s0 =	simm.s32 @p2 $0x1  }
0x17: {  	s4 =	simm.s32 $0x1BF5;
	[smem:$0x3FAA] =	sst s0  }
0x18: {  	s0 =	sld [smem:$0x3F8D];
	_ =	swait.ge [sflag:s4], $0x0  }
0x19: {  	s7 =	sld [smem:$0x3F8E]  }
0x1a: {  	s8 =	sadd.s32 $0xFFFFE003, lr  }
0x1b: {  	s9 =	sadd.s32 $0xFFFFFEF7, lr;
	s5 =	simm.s32 $0xFFFFFFFF;
	p2 =	slt.u32 s8, $0xFFFFF086  }
0x1c: {  	p1 =	slt.u32 s9, $0xF7A;
	s5 =	simm.s32 @!p2 $0x0  }
0x1d: {  	s5 =	simm.s32 @p1 $0x1;
	p0 =	seq.s32 s7, s2  }
0x1e: {  	s7 =	smul.u32 @!p0 $0xF7A, s2;
	p2 =	seq.s32 @!p0 s5, $0x0  }
0x1f: {  	s9 =	smul.u32 $0xF7A, s1;
	s8 =	simm.s32 @!p0 $0x1BF5;
	p2 =	por !p2, p0  }
0x20: {  	[sflag:s8] =	ssyncset.s32 @!p0 $0xFFFFF086;
	s6 =	sadd.s32 @!p0 s3, s7;
	s7 =	simm.s32 @!p0 $0x108  }
0x21: {  	s3 =	sadd.s32 s3, s9;
	s6 =	sadd.s32 @!p0 $0x88, s6;
	s7 =	simm.s32 @p2 $0x1082  }
0x22: {  	[simem:s7], [sflag:s8] =	dma.local @!p0 [hbm:s6], $0xF7A  }
0x23: {  	s9 =	sor.u32 $0xD0000000, s2;
	s6 =	simm.s32 $0x108;
	_ =	swait.ge @!p0 [sflag:s8], $0x0  }
0x24: {  	s3 =	sadd.s32 $0x88, s3;
	s6 =	simm.s32 @!p1 $0x1082;
	[sflag:s4] =	ssyncset.s32 $0xFFFFF086  }
0x25: {  	[simem:s6], [sflag:s4] =	dma.local [hbm:s3], $0xF7A  }
0x26: {  	[smem:$0x3F8E] =	sst s1;
	(tag) =	ssettag s2;
	_ =	strace s9  }
0x27: {  	s1 =	sld [smem:$0x3F9E]  }
0x28: {  	s2 =	sld [smem:$0x3F9F]  }
0x29: {  	s4 =	sld [smem:$0x3FA1]  }
0x2a: {  	p0 =	seq.s32 s5, $0x0;
	s5 =	sld [smem:$0x3FA2]  }
0x2b: {  	s6 =	sld [smem:$0x3FA3]  }
0x2c: {  	s7 =	sld [smem:$0x3FA4]  }
0x2d: {  	s3 =	simm.s32 $0x108;
	s8 =	sld [smem:$0x3FA5]  }
0x2e: {  	s3 =	simm.s32 @!p0 $0x1082;
	s9 =	sld [smem:$0x3FA6]  }
0x2f: {  	lr =	sadd.s32 s0, s3;
	s0 =	sld [smem:$0x3F9D]  }
0x30: {  	s3 =	sld [smem:$0x3FA0]  }
0x31: {  	[smem:$0x3FA9] =	sst s10  }
0x32: {  	s10 =	sld [smem:$0x3FA7];
	_ =	sdelay $0x3  }
0x33: {  	p0 =	seq.s32 s10, $0x1;
	s10 =	sld [smem:$0x3FA9];
	_ =	sdelay $0x3  }
0x34: {  	[smem:$0x3FA9] =	sst s10  }
0x35: {  	s10 =	sld [smem:$0x3FA8];
	_ =	sdelay $0x3  }
0x36: {  	p1 =	seq.s32 s10, $0x1;
	s10 =	sld [smem:$0x3FA9];
	_ =	sdelay $0x3  }
0x37: {  	[smem:$0x3FA9] =	sst s10  }
0x38: {  	s10 =	sld [smem:$0x3FAA]  }
0x39: {  	_ = 	snop;
	(pc) =	sbr.ind lr, $3  }
0x3a: {  	_ = 	snop  }
0x3b: {  	_ = 	snop  }
0x3c: {  	p2 =	seq.s32 s10, $0x1;
	s10 =	sld [smem:$0x3FA9]  }
0x3d: {  	_ =	shalt  }
0x3e: {  	_ =	shalt  }
0x3f: {  	_ =	shalt  }
0x40: {  	_ =	shalt  }
0x41: {  	_ =	shalt  }
0x42: {  	_ =	shalt  }
0x43: {  	_ =	shalt  }
0x44: {  	_ =	shalt  }
0x45: {  	_ =	shalt  }
0x46: {  	_ =	shalt  }
0x47: {  	_ =	shalt  }
0x48: {  	_ =	shalt  }
0x49: {  	_ =	shalt  }
0x4a: {  	_ =	shalt  }
0x4b: {  	_ =	shalt  }
0x4c: {  	_ =	shalt  }
0x4d: {  	_ =	shalt  }
0x4e: {  	_ =	shalt  }
0x4f: {  	_ =	shalt  }
0x50: {  	_ =	shalt  }
0x51: {  	_ =	shalt  }
0x52: {  	_ =	shalt  }
0x53: {  	_ =	shalt  }
0x54: {  	_ =	shalt  }
0x55: {  	_ =	shalt  }
0x56: {  	_ =	shalt  }
0x57: {  	_ =	shalt  }
0x58: {  	_ =	shalt  }
0x59: {  	_ =	shalt  }
0x5a: {  	_ =	shalt  }
0x5b: {  	_ =	shalt  }
0x5c: {  	_ =	shalt  }
0x5d: {  	_ =	shalt  }
0x5e: {  	_ =	shalt  }
0x5f: {  	_ =	shalt  }
0x60: {  	_ =	shalt  }
0x61: {  	_ =	shalt  }
0x62: {  	_ =	shalt  }
0x63: {  	_ =	shalt  }
0x64: {  	_ =	shalt  }
0x65: {  	_ =	shalt  }
0x66: {  	_ =	shalt  }
0x67: {  	_ =	shalt  }
0x68: {  	_ =	shalt  }
0x69: {  	_ =	shalt  }
0x6a: {  	_ =	shalt  }
0x6b: {  	_ =	shalt  }
0x6c: {  	_ =	shalt  }
0x6d: {  	_ =	shalt  }
0x6e: {  	_ =	shalt  }
0x6f: {  	_ =	shalt  }
0x70: {  	_ =	shalt  }
0x71: {  	_ =	shalt  }
0x72: {  	_ =	shalt  }
0x73: {  	_ =	shalt  }
0x74: {  	_ =	shalt  }
0x75: {  	_ =	shalt  }
0x76: {  	_ =	shalt  }
0x77: {  	_ =	shalt  }
0x78: {  	_ =	shalt  }
0x79: {  	_ =	shalt  }
0x7a: {  	_ =	shalt  }
0x7b: {  	_ =	shalt  }
0x7c: {  	_ =	shalt  }
0x7d: {  	_ =	shalt  }
0x7e: {  	_ =	shalt  }
0x7f: {  	_ =	shalt  }
0x80: {  	_ =	shalt  }
0x81: {  	_ =	shalt  }
0x82: {  	_ =	shalt  }
0x83: {  	_ =	shalt  }
0x84: {  	_ =	shalt  }
0x85: {  	_ =	shalt  }
0x86: {  	_ =	shalt  }
0x87: {  	_ =	shalt  }
.Lfunc_end0:
.L_simem_size_0:
called_computation.3_lowered:
.L_overlay_start_0:
0x88: {  	s2 =	sld [smem:$0x3FD9]  }
0x89: {  	s3 =	sld [smem:$0x3FFE];
	_ =	sdelay $0x1  }
0x8a: {  	s1 =	srdreg.scid  }
0x8b: {  	s0 =	sand.u32 $0x1, s1  }
0x8c: {  	s17 =	sshll.u32 s0, $0xA;
	s2 =	sadd.s32 s3, s2  }
0x8d: {  	s2 =	sadd.s32 s2, s17  }
0x8e: {  	[smem:$0x3FB5] =	sst s2  }
0x8f: {  	_ = 	snop  }
0x90: {  	(tm) =	ssettm $0x1  }
0x91: {  	s18 =	sld [smem:$0x3FFB];
	_ =	sdelay $0x3  }
0x92: {  	_ =	strace s18  }
0x93: {  	s2 =	sld [smem:$0x3FFC];
	_ =	sdelay $0x3  }
0x94: {  	_ =	strace s2  }
0x95: {  	s2 =	sld [smem:$0x3FFD];
	_ =	sdelay $0x3  }
0x96: {  	_ =	strace s2  }
0x97: {  	_ =	strace $0x8FFFFFFF  }
0x98: {  	s19 =	sld [smem:$0x3FDB];
	_ =	sdelay $0x1  }
0x99: {  	s20 =	simm.s32 $_scs_section_size  }
0x9a: {  	s4 =	simm.s32 $_size__tile_overlayer_lowered;
	s5 =	simm.s32 $_tile_overlayer_lowered  }
0x9b: {  	s6 =	simm.s32 $0x1BFF;
	s21 =	sshll.u32 s5, $0x1;
	s3 =	sadd.s32 s20, s19  }
0x9c: {  	s22 =	simm.s32 $0x0;
	s4 =	sshll.u32 s4, $0x1;
	s5 =	sadd.s32 s21, s3  }
0x9d: {  	[timem:s22], [sflag:s6] =	dma.local [hbm:s5], s4  }
0x9e: {  	_ =	swait.ge [sflag:s6], s4  }
0x9f: {  	s4 =	ssub.s32 $0x0, s4;
	[sflag:s6] =	ssyncset.done $0x0  }
0xa0: {  	[sflag:s6] =	ssyncadd.s32 s4;
	_ =	sdelay $0x1  }
0xa1: {  	s23 =	simm.s32 $0x1B8B  }
0xa2: {  	_ =	swait.ge [sflag:s23], $0x1  }
0xa3: {  	[sflag:s23] =	ssyncset.done $0x0  }
0xa4: {  	[sflag:s23] =	ssyncadd.s32 $0xFFFFFFFF  }
0xa5: {  	s4 =	sld [smem:$0x0]  }
0xa6: {  	s5 =	sand.u32 $0xFFFFFFFE, s1  }
0xa7: {  	p0 =	sne.s32 s1, s5  }
0xa8: {  	s5 =	sshll.u32 @p0 s5, $0xE  }
0xa9: {  	s5 =	sadd.s32 @p0 $0x11B8D, s5;
	s6 =	sshll.u32 @p0 s4, $0x11  }
0xaa: {  	s5 =	sor.u32 @p0 s6, s5  }
0xab: {  	[sflag:s5] =	ssyncadd.remote.s32 @p0 $0x1;
	_ =	sdelay $0x1  }
0xac: {  	s5 =	simm.s32 @p0 $0x1B8D  }
0xad: {  	_ =	swait.eq @p0 [sflag:s5], $0x1  }
0xae: {  	[sflag:s5] =	ssyncadd.s32 @p0 $0xFFFFFFFF  }
0xaf: {  	s6 =	sshll.u32 @!p0 s1, $0xE  }
0xb0: {  	s6 =	sor.u32 @!p0 $0x4000, s6;
	s5 =	simm.s32 @!p0 $0x1B8D  }
0xb1: {  	s4 =	sshll.u32 @!p0 s4, $0x11;
	s6 =	sadd.s32 @!p0 $0x11B8D, s6;
	_ =	swait.eq @!p0 [sflag:s5], $0x1  }
0xb2: {  	s4 =	sor.u32 @!p0 s4, s6;
	[sflag:s5] =	ssyncadd.s32 @!p0 $0xFFFFFFFF  }
0xb3: {  	s25 =	simm.s32 $0x1B8E;
	s24 =	sld [smem:$0x3FFE];
	[sflag:s4] =	ssyncadd.remote.s32 @!p0 $0x1  }
0xb4: {  	s26 =	simm.s32 $execute0_lowered;
	[smem:$0x3FD2] =	sst s25  }
0xb5: {  	s5 =	sshll.u32 s26, $0x1;
	_ =	strace $0x8000004C;
	[dreg:$0x1] =	wrdreg $0xFFFFFFFF  }
0xb6: {  	s28 =	simm.s32 $_size_execute0_lowered;
	s3 =	sadd.s32 s3, s5;
	[dreg:$0x0] =	wrdreg $0x0  }
0xb7: {  	s5 =	sshll.u32 s28, $0x1;
	[dreg:$0x2] =	wrdreg s3  }
0xb8: {  	[dreg:$0x3] =	wrdreg s5  }
0xb9: {  	[dreg:$0x4] =	wrdreg $0xC0  }
0xba: {  	_ =	task [dreg:s22], $0x5FFFF  }
0xbb: {  	[dreg:$0x1] =	wrdreg $0xFFFFFFFF  }
0xbc: {  	[dreg:$0x0] =	wrdreg $0x60  }
0xbd: {  	[dreg:$0x2] =	wrdreg s24  }
0xbe: {  	[dreg:$0x3] =	wrdreg $0x9  }
0xbf: {  	_ =	task.clear_ibuf [dreg:s22], $0x4FFFF;
	_ =	strace $0x9000004C  }
0xc0: {  	s29 =	simm.s32 $0x9;
	_ =	strace $0x8000004E  }
0xc1: {  	_ =	swait.ge [sflag:s29], $0x1  }
0xc2: {  	[sflag:s29] =	ssyncadd.s32 $0xFFFFFFFF  }
0xc3: {  	_ =	strace $0x9000004E  }
0xc4: {  	_ =	sfence  }
0xc5: {  	s30 =	sld [smem:$0x0];
	_ =	sdelay $0x2  }
0xc6: {  	s31 =	sshll.u32 s1, $0xD;
	s1 =	sshrl.u32 s1, $0x2  }
0xc7: {  	s4 =	sand.u32 $0x4000, s31;
	s1 =	sadd.s32 s1, s30  }
0xc8: {  	s0 =	sor.u32 s4, s0;
	s1 =	sshll.u32 s1, $0x11  }
0xc9: {  	s0 =	sor.u32 s1, s0  }
0xca: {  	s0 =	sadd.s32 $0x8F2B, s0  }
0xcb: {  	[sflag:s0] =	ssyncadd.remote.s32 $0x1  }
0xcc: {  	_ =	sfence.sel $0xFFFF  }
0xcd: {  	[dreg:$0x0] =	wrdreg $0xFFFFFFFF;
	(pc) =	sbr.abs _section_cstart, $3  }
0xce: {  	[dreg:$0x1] =	wrdreg $0xFFFFFFFF  }
0xcf: {  	_ =	task.clear_ibuf [dreg:s22], $0x2FFFF;
	_ =	strace $0x9FFFFFFF  }
0xd0: {  	(tm) =	ssettm $0x7FFFFFFF  }
0xd1: {  	_ =	shalt  }
tec
execute0_lowered:
.L_overlay_start_1:
0x0: {  	(tag) =	ssettag $0x1  }
0x1: {  	s1 =	srdreg.scid;
	s0 =	stileid.u32  }
0x2: {  	s6 =	sand.u32 $0x1, s1;
	s30 =	sshll.u32 s0, $0x1  }
0x3: {  	s8 =	rddreg [dreg:$0x0];
	s7 =	sor.u32 s6, s30  }
0x4: {  	s2 =	simm.s32 $0x0;
	s1 =	rddreg [dreg:$0x1];
	s3 =	smul.u32 $0x62, s7  }
0x5: {  	[smem:$0x7FF] =	sst s2;
	s5 =	sadd.s32 $0x930000, s8  }
0x6: {  	_ =	strace $0x8000004D;
	s10 =	ssub.s32 $0x2, s6;
	s3 =	sadd.s32 s3, s8  }
0x7: {  	s6 =	simm.s32 $0x310;
	s4 =	sadd.s32 $0x996200, s3;
	s3 =	simm.s32 $0x2  }
0x8: {  	[tilespmem:s2], [sflag:$0x2] =	stream.linear.gather [hbm4b:s4+s2], $0x310, $0x38;
	[tilespmem:$0xC710] =	vst v63  }
0x9: {  	s9 =	smul.u32 $0x1880, s7;
	s11 =	sshrl.u32 s10, $0x1;
	_ =	swait.ge [sflag:s3], $0x310  }
0xa: {  	s7 =	simm.s32 $0x1;
	s31 =	ssub.s32 s10, s11;
	[sflag:s3] =	ssyncset.done $0x0  }
0xb: {  	s8 =	sadd.s32 s9, s8;
	s9 =	smax.u32 s31, $0x1;
	[sflag:s3] =	ssyncadd.s32 $0xFFFFFCF0  }
0xc: {  	[tilespmem:s6], [sflag:$0x1] =	stream.indirect.gather [hbm4b:s5+s6], $0x40, s2, s6, $0xb8;
	[tilespmem:$0xC710] =	vst v63  }
0xd: {  	p0 =	sne.s32 s9, $0x1;
	_ =	swait.ge [sflag:s7], $0xC400  }
.Ltmp0:
0xe: {  	[sflag:s7] =	ssyncset.done $0x0;
	(pc) =	sbr.rel @!p0 .LBB2_2-.Ltmp0, $4  }
0xf: {  	s8 =	sadd.s32 $0x142A800, s8;
	[sflag:s7] =	ssyncadd.s32 $0xFFFF3C00  }
0x10: {  	[hbm4b:s8+s2] =	stream.linear.scatter [tilespmem:s6], [sflag:$0x2], $0xC400, $0x38;
	[tilespmem:$0xC710] =	vst v63  }
0x11: {  	_ =	swait.ge [sflag:s3], $0xC400  }
0x12: {  	s9 =	sadd.s32 $0xFFFFFFFF, s9;
	[sflag:s3] =	ssyncset.done $0x0  }
.LBB2_1:
0x13: {  	p0 =	sne.s32 s9, $0x1;
	s9 =	sadd.s32 $0xFFFFFFFF, s9;
	[sflag:s3] =	ssyncadd.s32 $0xFFFF3C00  }
0x14: {  	[tilespmem:s2], [sflag:$0x2] =	stream.linear.gather [hbm4b:s4+s2], $0x310, $0x38;
	[tilespmem:$0xC710] =	vst v63  }
0x15: {  	_ =	swait.ge [sflag:s3], $0x310  }
0x16: {  	[sflag:s3] =	ssyncset.done $0x0  }
0x17: {  	[sflag:s3] =	ssyncadd.s32 $0xFFFFFCF0  }
0x18: {  	[tilespmem:s6], [sflag:$0x1] =	stream.indirect.gather [hbm4b:s5+s6], $0x40, s2, s6, $0xb8;
	[tilespmem:$0xC710] =	vst v63  }
0x19: {  	_ =	swait.ge [sflag:s7], $0xC400  }
.Ltmp1:
0x1a: {  	[sflag:s7] =	ssyncset.done $0x0;
	(pc) =	sbr.rel @p0 .LBB2_1-.Ltmp1, $4  }
0x1b: {  	[sflag:s7] =	ssyncadd.s32 $0xFFFF3C00  }
0x1c: {  	[hbm4b:s8+s2] =	stream.linear.scatter [tilespmem:s6], [sflag:$0x2], $0xC400, $0x38;
	[tilespmem:$0xC710] =	vst v63  }
0x1d: {  	_ =	swait.ge [sflag:s3], $0xC400  }
0x1e: {  	[sflag:s3] =	ssyncset.done $0x0  }
.LBB2_2:
0x1f: {  	[sflag:s3] =	ssyncadd.s32 $0xFFFF3C00  }
0x20: {  	_ =	sfence.sel $0x180000  }
0x21: {  	[bflag:$0x0] =	sbarrier.arrive $0xFFFF  }
0x22: {  	p0 =	sne.s32 s0, $0x0;
	_ =	strace $0x9000004D  }
0x23: {  	s0 =	sadd.s32 @!p0 $0x100000, s1;
	[bflag:$0x2] =	sbarrier.arrive $0xFFFF  }
0x24: {  	[sflag:s0] =	ssyncadd.tile.s32 @!p0 $0x1;
	_ =	shalt  }
.Lfunc_end2:
_tile_overlayer_lowered:
.L_overlay_start_2:
0x25: {  	(tag) =	ssettag $0x2  }
0x26: {  	s0 =	rddreg [dreg:$0x0];
	s2 =	stileid.u32  }
0x27: {  	s1 =	rddreg [dreg:$0x1];
	p0 =	sne.s32 s2, $0x0  }
0x28: {  	s3 =	rddreg [dreg:$0x2];
	[bflag:$0x3] =	sbarrier.arrive $0xFFFF;
	s2 =	simm.s32 @!p0 $0x1C02  }
0x29: {  	[timem:s3], [sflag:s2] =	dma.local @!p0 [hbm:s0], s1  }
0x2a: {  	s0 =	simm.s32 @!p0 $0x2  }
0x2b: {  	_ =	swait.ge @!p0 [sflag:s0], s1  }
0x2c: {  	s1 =	ssub.s32 @!p0 $0x0, s1;
	[sflag:s0] =	ssyncset.done @!p0 $0x0  }
0x2d: {  	[sflag:s0] =	ssyncadd.s32 @!p0 s1  }
0x2e: {  	[bflag:$0x3] =	sbarrier.arrive $0xFFFF  }
0x2f: {  	_ =	shalt  }

// kernel: sparse-core-data-format-call.1.cloned.1.call-start
scs
called_computation.1_lowered:
.L_overlay_start_0:
0x0: {  	s1 =	sld [smem:$0x3FD9]  }
0x1: {  	s2 =	sld [smem:$0x3FFE];
	_ =	sdelay $0x1  }
0x2: {  	s3 =	srdreg.scid  }
0x3: {  	s0 =	sand.u32 $0x1, s3  }
0x4: {  	s17 =	sshll.u32 s0, $0xA;
	s1 =	sadd.s32 s2, s1  }
0x5: {  	s1 =	sadd.s32 s1, s17  }
0x6: {  	[smem:$0x3FB5] =	sst s1  }
0x7: {  	_ = 	snop  }
0x8: {  	(tm) =	ssettm $0x1  }
0x9: {  	s18 =	sld [smem:$0x3FFB];
	_ =	sdelay $0x3  }
0xa: {  	_ =	strace s18  }
0xb: {  	s1 =	sld [smem:$0x3FFC];
	_ =	sdelay $0x3  }
0xc: {  	_ =	strace s1  }
0xd: {  	s1 =	sld [smem:$0x3FFD];
	_ =	sdelay $0x3  }
0xe: {  	_ =	strace s1  }
0xf: {  	_ =	strace $0x8FFFFFFF  }
0x10: {  	s19 =	sld [smem:$0x3FDB];
	_ =	sdelay $0x1  }
0x11: {  	s20 =	simm.s32 $_scs_section_size  }
0x12: {  	s4 =	simm.s32 $_size__tile_overlayer_lowered;
	s5 =	simm.s32 $_tile_overlayer_lowered  }
0x13: {  	s23 =	simm.s32 $0x1BFF;
	s22 =	sshll.u32 s5, $0x1;
	s1 =	sadd.s32 s20, s19  }
0x14: {  	s6 =	simm.s32 $0x0;
	s21 =	sshll.u32 s4, $0x1;
	s4 =	sadd.s32 s22, s1  }
0x15: {  	[timem:s6], [sflag:s23] =	dma.local [hbm:s4], s21  }
0x16: {  	_ =	swait.ge [sflag:s23], s21  }
0x17: {  	s2 =	ssub.s32 $0x0, s21;
	[sflag:s23] =	ssyncset.done $0x0  }
0x18: {  	[sflag:s23] =	ssyncadd.s32 s2;
	_ =	sdelay $0x1  }
0x19: {  	s24 =	simm.s32 $0x1B8B  }
0x1a: {  	_ =	swait.ge [sflag:s24], $0x1  }
0x1b: {  	[sflag:s24] =	ssyncset.done $0x0  }
0x1c: {  	s26 =	simm.s32 $0x1B8E;
	s25 =	sld [smem:$0x3FFE];
	[sflag:s24] =	ssyncadd.s32 $0xFFFFFFFF  }
0x1d: {  	s27 =	simm.s32 $execute0_lowered;
	[smem:$0x3FD2] =	sst s26  }
0x1e: {  	s4 =	sshll.u32 s27, $0x1;
	_ =	strace $0x80000049;
	[dreg:$0x1] =	wrdreg $0xFFFFFFFF  }
0x1f: {  	s28 =	simm.s32 $_size_execute0_lowered;
	s1 =	sadd.s32 s1, s4;
	[dreg:$0x0] =	wrdreg $0x0  }
0x20: {  	s4 =	sshll.u32 s28, $0x1;
	[dreg:$0x2] =	wrdreg s1  }
0x21: {  	[dreg:$0x3] =	wrdreg s4  }
0x22: {  	[dreg:$0x4] =	wrdreg $0xC0  }
0x23: {  	_ =	task [dreg:s6], $0x5FFFF  }
0x24: {  	[dreg:$0x1] =	wrdreg $0xFFFFFFFF  }
0x25: {  	[dreg:$0x0] =	wrdreg $0x60  }
0x26: {  	[dreg:$0x2] =	wrdreg s25  }
0x27: {  	[dreg:$0x3] =	wrdreg $0xA  }
0x28: {  	_ =	task.clear_ibuf [dreg:s6], $0x4FFFF;
	_ =	strace $0x90000049  }
0x29: {  	s29 =	simm.s32 $0xA;
	_ =	strace $0x8000004B  }
0x2a: {  	_ =	swait.ge [sflag:s29], $0x1  }
0x2b: {  	[sflag:s29] =	ssyncadd.s32 $0xFFFFFFFF  }
0x2c: {  	_ =	strace $0x9000004B  }
0x2d: {  	_ =	sfence  }
0x2e: {  	s30 =	sld [smem:$0x0];
	_ =	sdelay $0x2  }
0x2f: {  	s31 =	sshll.u32 s3, $0xD;
	s3 =	sshrl.u32 s3, $0x2  }
0x30: {  	s2 =	sand.u32 $0x4000, s31;
	s1 =	sadd.s32 s3, s30  }
0x31: {  	s0 =	sor.u32 s2, s0;
	s1 =	sshll.u32 s1, $0x11  }
0x32: {  	s0 =	sor.u32 s1, s0  }
0x33: {  	s0 =	sadd.s32 $0x8F2B, s0  }
0x34: {  	[sflag:s0] =	ssyncadd.remote.s32 $0x1  }
0x35: {  	_ =	sfence.sel $0xFFFF  }
0x36: {  	[dreg:$0x0] =	wrdreg $0xFFFFFFFF;
	(pc) =	sbr.abs _section_cstart, $3  }
0x37: {  	[dreg:$0x1] =	wrdreg $0xFFFFFFFF  }
0x38: {  	_ =	task.clear_ibuf [dreg:s6], $0x2FFFF;
	_ =	strace $0x9FFFFFFF  }
0x39: {  	(tm) =	ssettm $0x7FFFFFFF  }
tec
execute0_lowered:
.L_overlay_start_1:
0x0: {  	(tag) =	ssettag $0x1  }
0x1: {  	s2 =	rddreg [dreg:$0x0]  }
0x2: {  	s1 =	stileid.u32;
	s0 =	rddreg [dreg:$0x1]  }
0x3: {  	s4 =	srdreg.scid;
	_ =	strace $0x8000004A;
	s9 =	simm.s32 $0x2  }
0x4: {  	s18 =	simm.s32 $0x0;
	p0 =	por $0x0, $0x0;
	s10 =	simm.s32 $0x2A000  }
0x5: {  	s11 =	simm.s32 $0xE000;
	s20 =	simm.s32 $0x0;
	s17 =	simm.s32 $0x0  }
0x6: {  	s19 =	simm.s32 $0x0;
	s12 =	simm.s32 $0x0;
	s16 =	simm.s32 $0x0  }
0x7: {  	s3 =	sand.u32 $0x1, s1;
	s4 =	sshll.u32 s4, $0x4;
	s8 =	sshll.u32 s1, $0x6  }
0x8: {  	s5 =	ssub.s32 $0x2, s3;
	s6 =	sand.u32 $0x10, s4;
	s4 =	sadd.s32 $0x9AA800, s2  }
.Ltmp0:
0x9: {  	s7 =	sshrl.u32 s5, $0x1;
	s5 =	sand.u32 $0x1, s5;
	(pc) =	sbr.rel .LBB1_1-.Ltmp0, $4  }
0xa: {  	s8 =	sand.u32 $0x80, s8;
	s6 =	sor.u32 s1, s6;
	s7 =	sadd.s32 s5, s7  }
0xb: {  	s5 =	sshrl.u32 s6, $0x2;
	s6 =	simm.s32 $0x1;
	s7 =	smul.u32 $0xA8, s7  }
0xc: {  	s15 =	smov.u32 s3;
	s14 =	smov.u32 s8;
	[sflag:s6] =	ssyncpa.u1 $0x0  }
0xd: {  	s13 =	smov.u32 s5;
	[sflag:s9] =	ssyncpa.u1 $0x0;
	s9 =	sor.u32 $0x1, s7  }
.LBB1_6:
0xe: {  	s26 =	sshll.u32 s20, $0x8;
	s27 =	sshll.u32 s17, $0x3;
	v5 =	vld [tilespmem:s24+$0xFFFFFFD0];
	[tilespmem:s23+$0x2040 ss:$0x81] =	vst.msk $0xffff, v4  }
0xf: {  	s30 =	sshll.u32 s20, $0x7;
	v58 =	vld [tilespmem:s24+$0xFFFFFFE0];
	[tilespmem:s23+$0x2850 ss:$0x81] =	vst.msk $0xffff, v2;
	s26 =	sand.u32 $0xFFFFF800, s26;
	s27 =	sand.u32 $0xFFFFFC00, s27  }
0x10: {  	s25 =	sshra.s32 s25, $0x2;
	v59 =	vld [tilespmem:s24+$0xFFFFFFF0];
	[tilespmem:s23+$0x3060 ss:$0x81] =	vst.msk $0xffff, v3;
	s31 =	sand.u32 $0x300, s30;
	s26 =	sadd.s32 s27, s26  }
0x11: {  	v60 =	vld [tilespmem:s24+$0x0];
	[tilespmem:s23+$0x0 ss:$0x81] =	vst.msk $0xffff, v0;
	s22 =	sadd.s32 s25, s22;
	s26 =	sor.u32 s31, s26  }
0x12: {  	v61 =	vld [tilespmem:s24+$0x10];
	s19 =	smul.u32 $0x540000, s19;
	[tilespmem:s22+$0x3870 ss:$0x81] =	vst.msk $0xffff, v1;
	s26 =	sshrl.u32 s26, $0x8  }
0x13: {  	v62 =	vld [tilespmem:s24+$0x20];
	s28 =	smulhi.u32 $0x124924A, s26;
	[tilespmem:s22+$0x810 ss:$0x81] =	vst.msk $0xffff, v5  }
0x14: {  	v63 =	vld [tilespmem:s24+$0xFFFFFFC0];
	s18 =	smul.u32 $0x1C00, s18;
	[tilespmem:s22+$0x1020 ss:$0x81] =	vst.msk $0xffff, v58  }
0x15: {  	s29 =	sand.u32 $0x78, s17;
	s20 =	sand.u32 $0x80, s30;
	[tilespmem:s22+$0x1830 ss:$0x81] =	vst.msk $0xffff, v59;
	s23 =	smul.u32 $0xE0, s28  }
0x16: {  	s30 =	sand.u32 $0x7, s17;
	s20 =	sor.u32 s29, s20;
	s19 =	sadd.s32 s4, s19;
	[tilespmem:s22+$0x2040 ss:$0x81] =	vst.msk $0xffff, v60  }
0x17: {  	s20 =	sshrl.u32 s20, $0x3;
	s18 =	sadd.s32 s18, s19;
	[tilespmem:s22+$0x2850 ss:$0x81] =	vst.msk $0xffff, v61;
	s23 =	ssub.s32 s26, s23  }
0x18: {  	s17 =	sshll.u32 s30, $0x12;
	s18 =	sadd.s32 s20, s18;
	[tilespmem:s22+$0x3060 ss:$0x81] =	vst.msk $0xffff, v62;
	s31 =	sshll.u32 s23, $0x5  }
0x19: {  	s17 =	sor.u32 $0x80, s17;
	[tilespmem:s22+$0x0 ss:$0x81] =	vst.msk $0xffff, v63;
	s18 =	sadd.s32 s31, s18  }
0x1a: {  	[hbm4b:s18+s17] =	stream.strided.scatter [tilespmem:s21], [sflag:$0x2], $0x4000, s11, s17, $0x20;
	[tilespmem:$0x10100] =	vst v63  }
.LBB1_7:
0x1b: {  	s21 =	sadd.s32 $0x80, s12  }
0x1c: {  	s17 =	sadd.s32 $0x8, s13;
	s22 =	smov.u32 s13;
	p2 =	sgt.s32 s21, $0x2FF  }
0x1d: {  	s22 =	smov.u32 @p2 s17  }
0x1e: {  	s23 =	smov.u32 s14;
	s17 =	sadd.s32 $0x100, s14;
	p3 =	sgt.s32 s22, $0xDF  }
0x1f: {  	s23 =	smov.u32 @p3 s17  }
0x20: {  	s24 =	smov.u32 s15;
	s17 =	sadd.s32 $0x2, s15;
	p4 =	sgt.s32 s23, $0xDF  }
0x21: {  	p1 =	slt.u32 s16, $0x2;
	s24 =	smov.u32 @p4 s17  }
0x22: {  	s18 =	smov.u32 s12;
	s21 =	simm.s32 @p2 $0x0;
	p2 =	sgt.s32 s24, $0x1  }
0x23: {  	s25 =	simm.s32 @!p1 $0x2;
	s24 =	smov.u32 @p2 s3;
	p2 =	sne.s32 s16, s9  }
.Ltmp1:
0x24: {  	s20 =	smov.u32 s13;
	_ =	swait.ge @!p1 [sflag:s25], $0x4000;
	(pc) =	sbr.rel @!p2 .LBB1_8-.Ltmp1, $4  }
0x25: {  	s19 =	smov.u32 s15;
	p0 =	por !p0, !p0;
	[sflag:s25] =	ssyncset.done @!p1 $0x0  }
0x26: {  	s12 =	smov.u32 s21;
	s22 =	smov.u32 @p3 s5;
	[sflag:s25] =	ssyncadd.s32 @!p1 $0xFFFFC000  }
0x27: {  	s13 =	smov.u32 s22;
	s23 =	smov.u32 @p4 s8;
	s17 =	smov.u32 s14  }
0x28: {  	s14 =	smov.u32 s23;
	s16 =	sadd.s32 $0x1, s16;
	s15 =	smov.u32 s24  }
.LBB1_1:
0x29: {  	p1 =	sge.u32 s16, s7  }
.Ltmp2:
0x2a: {  	_ = 	snop;
	(pc) =	sbr.rel @p1 .LBB1_3-.Ltmp2, $1  }
0x2b: {  	_ =	sdelay $0x3  }
0x2c: {  	s21 =	sshrl.u32 s13, $0x3  }
0x2d: {  	s22 =	sshll.u32 s12, $0x3;
	s21 =	smul.u32 $0x1800, s21  }
0x2e: {  	s23 =	sshll.u32 s13, $0x7;
	s22 =	sand.u32 $0xFFFFFC00, s22  }
0x2f: {  	s25 =	sand.u32 $0x380, s23;
	s21 =	sadd.s32 s21, s22  }
0x30: {  	s26 =	sand.u32 $0x7F, s12;
	s21 =	sor.u32 s25, s21  }
0x31: {  	s24 =	sshra.s32 s15, $0x1F;
	s22 =	sor.u32 s26, s21  }
0x32: {  	p1 =	sgt.s32 s15, $0x1;
	s24 =	sand.u32 s24, s15;
	s23 =	smulhi.u32 $0xAAAAAAAB, s22  }
0x33: {  	s28 =	sshra.s32 s14, $0x1F;
	s31 =	sshra.s32 s12, $0x1F;
	s24 =	sxor.u32 $0xFFFFFFFF, s24  }
0x34: {  	s25 =	smov.u32 s15;
	s21 =	smulhi.u32 $0xAAAAAAAB, s21;
	s23 =	sshrl.u32 s23, $0x9  }
0x35: {  	s26 =	sxor.u32 $0xFFFFFFFF, s16;
	s25 =	simm.s32 @!p1 $0x1;
	s23 =	smul.u32 $0x300, s23  }
0x36: {  	s27 =	sadd.s32 s24, s25;
	s24 =	smov.u32 s14;
	s25 =	sand.u32 s28, s14  }
0x37: {  	p1 =	sgt.s32 s27, $0x0;
	s22 =	ssub.s32 s22, s23;
	s23 =	ssub.s32 $0x1, s27  }
0x38: {  	s21 =	sshrl.u32 s21, $0x9;
	s23 =	simm.s32 @p1 $0x0;
	p1 =	sgt.s32 s14, $0x60  }
0x39: {  	s29 =	smulhi.u32 $0x124924A, s21;
	s27 =	sshra.s32 s13, $0x1F;
	s24 =	simm.s32 @!p1 $0x60  }
0x3a: {  	p1 =	sgt.s32 s13, $0xDF;
	s24 =	ssub.s32 s24, s25;
	s25 =	smov.u32 s13  }
0x3b: {  	s27 =	sand.u32 s27, s13;
	s28 =	sadd.s32 $0xFFFFFFA0, s24;
	s25 =	simm.s32 @!p1 $0xDF  }
0x3c: {  	s24 =	ssub.s32 $0xE0, s24;
	p1 =	sgt.s32 s28, $0x7F;
	s25 =	ssub.s32 s25, s27  }
0x3d: {  	s27 =	smul.u32 $0xE0, s29;
	s24 =	simm.s32 @p1 $0x0;
	s30 =	sadd.s32 $0xFFFFFF21, s25  }
0x3e: {  	s23 =	smul.u32 s23, s24;
	p1 =	sgt.s32 s30, $0x0;
	s24 =	ssub.s32 $0xE0, s25  }
0x3f: {  	s25 =	smov.u32 s12;
	s24 =	simm.s32 @p1 $0x0;
	p1 =	sgt.s32 s12, $0x280  }
0x40: {  	s28 =	sand.u32 s31, s12;
	s31 =	smul.u32 $0x5400, s14;
	s25 =	simm.s32 @!p1 $0x280  }
0x41: {  	s21 =	ssub.s32 s21, s27;
	s30 =	smul.u32 $0x498000, s15;
	s25 =	ssub.s32 s25, s28  }
0x42: {  	s26 =	sshll.u32 s26, $0xE;
	s21 =	smul.u32 $0x60, s21;
	s29 =	sadd.s32 $0xFFFFFD80, s25  }
0x43: {  	s23 =	smul.u32 s24, s23;
	s25 =	ssub.s32 $0x300, s25;
	p1 =	sgt.s32 s29, $0x7F  }
0x44: {  	s24 =	sand.u32 $0x4000, s26;
	s27 =	sadd.s32 s2, s30;
	s25 =	simm.s32 @p1 $0x0  }
0x45: {  	s28 =	sadd.s32 s31, s27;
	s29 =	sand.u32 $0x7, s22;
	s23 =	smul.u32 s25, s23  }
0x46: {  	s21 =	sadd.s32 s21, s28;
	s22 =	sshrl.u32 s22, $0x3;
	s30 =	sshll.u32 s29, $0x12  }
0x47: {  	s21 =	sadd.s32 s22, s21;
	s31 =	sor.u32 $0x80, s30;
	s23 =	sand.u32 $0x3FFFFFFF, s23  }
0x48: {  	[tilespmem:s24], [sflag:$0x1] =	stream.strided.gather [hbm4b:s21+s31], s23, s10, s31, $0x38;
	[tilespmem:$0x10100] =	vst v63  }
.LBB1_3:
0x49: {  	s21 =	sadd.s32 $0xFFFFFFFF, s16  }
0x4a: {  	p1 =	sge.u32 s21, s7  }
.Ltmp3:
0x4b: {  	_ = 	snop;
	(pc) =	sbr.rel @p1 .LBB1_7-.Ltmp3, $1  }
0x4c: {  	_ =	sdelay $0x3  }
0x4d: {  	p1 =	sgt.s32 s19, $0x1;
	s21 =	smov.u32 s19;
	s22 =	sshra.s32 s19, $0x1F  }
0x4e: {  	s23 =	smov.u32 s17;
	s24 =	sshra.s32 s17, $0x1F;
	s25 =	sshra.s32 s20, $0x1F  }
0x4f: {  	s21 =	simm.s32 @!p1 $0x1;
	s22 =	sand.u32 s22, s19;
	p1 =	sgt.s32 s17, $0x60  }
0x50: {  	s24 =	sand.u32 s24, s17;
	s22 =	sxor.u32 $0xFFFFFFFF, s22;
	s23 =	simm.s32 @!p1 $0x60  }
0x51: {  	s27 =	sshra.s32 s18, $0x1F;
	s21 =	sadd.s32 s22, s21;
	s24 =	ssub.s32 s23, s24  }
0x52: {  	p1 =	sgt.s32 s21, $0x0;
	s21 =	ssub.s32 $0x1, s21;
	s23 =	sadd.s32 $0xFFFFFFA0, s24  }
0x53: {  	s22 =	ssub.s32 $0xE0, s24;
	s21 =	simm.s32 @p1 $0x0;
	p1 =	sgt.s32 s23, $0x7F  }
0x54: {  	s23 =	smov.u32 s20;
	s22 =	simm.s32 @p1 $0x0;
	p1 =	sgt.s32 s20, $0xDF  }
0x55: {  	s26 =	sand.u32 s25, s20;
	s21 =	smul.u32 s21, s22;
	s23 =	simm.s32 @!p1 $0xDF  }
0x56: {  	p1 =	sgt.s32 s18, $0x280;
	s22 =	ssub.s32 s23, s26;
	s23 =	smov.u32 s18  }
0x57: {  	s24 =	sand.u32 s27, s18;
	s25 =	sadd.s32 $0xFFFFFF21, s22;
	s23 =	simm.s32 @!p1 $0x280  }
0x58: {  	s22 =	ssub.s32 $0xE0, s22;
	p1 =	sgt.s32 s25, $0x0;
	s23 =	ssub.s32 s23, s24  }
0x59: {  	s22 =	simm.s32 @p1 $0x0;
	s24 =	sadd.s32 $0xFFFFFD80, s23  }
0x5a: {  	s21 =	smul.u32 s22, s21;
	p1 =	sgt.s32 s24, $0x7F;
	s22 =	ssub.s32 $0x300, s23  }
0x5b: {  	s22 =	simm.s32 @p1 $0x0  }
0x5c: {  	s21 =	smul.u32 s22, s21;
	_ =	sdelay $0x1  }
0x5d: {  	s22 =	simm.s32 $0x1;
	s21 =	sand.u32 $0x3FFFFFFF, s21  }
0x5e: {  	s22 =	simm.s32 @!p0 $0x0;
	_ =	swait.ge [sflag:s6], s21  }
0x5f: {  	s28 =	sshll.u32 s22, $0xE;
	s21 =	ssub.s32 $0x0, s21;
	[sflag:s6] =	ssyncset.done $0x0  }
0x60: {  	s29 =	sor.u32 $0x40, s28;
	[sflag:s6] =	ssyncadd.s32 s21  }
0x61: {  	s30 =	smul.u32 $0x10200, s22;
	v0 =	vld [tilespmem:s29+$0x30]  }
0x62: {  	v1 =	vld [tilespmem:s29+$0xFFFFFFD0]  }
0x63: {  	s21 =	sshrl.u32 s30, $0x2;
	v5 =	vld [tilespmem:s29+$0xFFFFFFE0]  }
0x64: {  	s22 =	sor.u32 $0x8000, s21;
	v6 =	vld [tilespmem:s29+$0xFFFFFFF0]  }
0x65: {  	s31 =	sand.u32 $0x1, s16;
	v4 =	vld [tilespmem:s29+$0x0];
	s23 =	sadd.s32 $0x0, s22  }
0x66: {  	s21 =	smul.u32 $0x10200, s31;
	v2 =	vld [tilespmem:s29+$0x10];
	[tilespmem:s23+$0x3870 ss:$0x81] =	vst.msk $0xffff, v0  }
0x67: {  	v3 =	vld [tilespmem:s29+$0x20];
	[tilespmem:s23+$0x810 ss:$0x81] =	vst.msk $0xffff, v1  }
0x68: {  	s24 =	sadd.s32 $0x80, s29;
	s21 =	sshrl.u32 s21, $0x2;
	v0 =	vld [tilespmem:s29+$0xFFFFFFC0];
	[tilespmem:s23+$0x1020 ss:$0x81] =	vst.msk $0xffff, v5  }
0x69: {  	s26 =	simm.s32 $0x8;
	s25 =	simm.s32 $0x4;
	s21 =	sor.u32 $0x8000, s21;
	v1 =	vld [tilespmem:s24+$0x30];
	[tilespmem:s23+$0x1830 ss:$0x81] =	vst.msk $0xffff, v6  }
.LBB1_5:
0x6a: {  	p1 =	sne.s32 s26, $0x1FC;
	v5 =	vld [tilespmem:s24+$0xFFFFFFD0];
	[tilespmem:s23+$0x2040 ss:$0x81] =	vst.msk $0xffff, v4  }
0x6b: {  	v6 =	vld [tilespmem:s24+$0xFFFFFFE0];
	[tilespmem:s23+$0x2850 ss:$0x81] =	vst.msk $0xffff, v2  }
0x6c: {  	s27 =	sshra.s32 s25, $0x2;
	s25 =	smov.u32 s26;
	v7 =	vld [tilespmem:s24+$0xFFFFFFF0];
	[tilespmem:s23+$0x3060 ss:$0x81] =	vst.msk $0xffff, v3  }
.Ltmp4:
0x6d: {  	v4 =	vld [tilespmem:s24+$0x0];
	[tilespmem:s23+$0x0 ss:$0x81] =	vst.msk $0xffff, v0;
	s23 =	sadd.s32 s27, s22;
	(pc) =	sbr.rel @p1 .LBB1_5-.Ltmp4, $4  }
0x6e: {  	v2 =	vld [tilespmem:s24+$0x10];
	[tilespmem:s23+$0x3870 ss:$0x81] =	vst.msk $0xffff, v1  }
0x6f: {  	[tilespmem:s23+$0x810 ss:$0x81] =	vst.msk $0xffff, v5;
	v3 =	vld [tilespmem:s24+$0x20]  }
0x70: {  	v0 =	vld [tilespmem:s24+$0xFFFFFFC0];
	[tilespmem:s23+$0x1020 ss:$0x81] =	vst.msk $0xffff, v6;
	s24 =	sadd.s32 $0x80, s24  }
0x71: {  	s26 =	sadd.s32 $0x4, s26;
	v1 =	vld [tilespmem:s24+$0x30];
	[tilespmem:s23+$0x1830 ss:$0x81] =	vst.msk $0xffff, v7  }
.Ltmp5:
0x72: {  	_ = 	snop;
	(pc) =	sbr.rel .LBB1_6-.Ltmp5, $1  }
0x73: {  	_ =	sdelay $0x3  }
.LBB1_8:
0x74: {  	_ =	sfence.sel $0x180000  }
0x75: {  	s2 =	simm.s32 $0x1;
	[bflag:$0x0] =	sbarrier.arrive $0xFFFF  }
0x76: {  	s31 =	simm.s32 $0x2;
	[sflag:s2] =	ssyncpa.u1 $0x1  }
0x77: {  	[sflag:s31] =	ssyncpa.u1 $0x1  }
0x78: {  	p0 =	sne.s32 s1, $0x0;
	_ =	strace $0x9000004A  }
0x79: {  	s0 =	sadd.s32 @!p0 $0x100000, s0;
	[bflag:$0x2] =	sbarrier.arrive $0xFFFF  }
0x7a: {  	[sflag:s0] =	ssyncadd.tile.s32 @!p0 $0x1;
	_ =	shalt  }
.Lfunc_end1:
_tile_overlayer_lowered:
.L_overlay_start_2:
0x7b: {  	(tag) =	ssettag $0x2  }
0x7c: {  	s0 =	rddreg [dreg:$0x0];
	s2 =	stileid.u32  }
0x7d: {  	s1 =	rddreg [dreg:$0x1];
	p0 =	sne.s32 s2, $0x0  }
0x7e: {  	s3 =	rddreg [dreg:$0x2];
	[bflag:$0x3] =	sbarrier.arrive $0xFFFF;
	s2 =	simm.s32 @!p0 $0x1C01  }
0x7f: {  	[timem:s3], [sflag:s2] =	dma.local @!p0 [hbm:s0], s1  }
0x80: {  	s0 =	simm.s32 @!p0 $0x1  }
0x81: {  	_ =	swait.ge @!p0 [sflag:s0], s1  }
0x82: {  	s1 =	ssub.s32 @!p0 $0x0, s1;
	[sflag:s0] =	ssyncset.done @!p0 $0x0  }
0x83: {  	[sflag:s0] =	ssyncadd.s32 @!p0 s1  }
0x84: {  	[bflag:$0x3] =	sbarrier.arrive $0xFFFF  }
0x85: {  	_ =	shalt  }

// kernel: sparse-core-data-format-call.2.cloned.1.call-start
scs
called_computation.2_lowered:
.L_overlay_start_0:
0x0: {  	s2 =	sld [smem:$0x3FD9]  }
0x1: {  	s3 =	sld [smem:$0x3FFE];
	_ =	sdelay $0x1  }
0x2: {  	s1 =	srdreg.scid  }
0x3: {  	s0 =	sand.u32 $0x1, s1  }
0x4: {  	s15 =	sshll.u32 s0, $0xA;
	s2 =	sadd.s32 s3, s2  }
0x5: {  	s2 =	sadd.s32 s2, s15  }
0x6: {  	[smem:$0x3FB5] =	sst s2  }
0x7: {  	_ = 	snop  }
0x8: {  	s2 =	sld [smem:$0x3FD0];
	_ =	sdelay $0x2  }
0x9: {  	s16 =	simm.s32 $0xB;
	s4 =	simm.s32 $0x10  }
0xa: {  	[smem:s4], [sflag:s16] =	dma.local [hbm:s2], $0x1  }
0xb: {  	_ =	swait.eq [sflag:s16], $0x1  }
0xc: {  	[sflag:s16] =	ssyncset.done $0x0  }
0xd: {  	[sflag:s16] =	ssyncadd.s32 $0xFFFFFFFF  }
0xe: {  	s17 =	sld [smem:$0x10];
	(tm) =	ssettm $0x1  }
0xf: {  	s18 =	sld [smem:$0x3FFB];
	_ =	sdelay $0x3  }
0x10: {  	_ =	strace s18  }
0x11: {  	s3 =	sld [smem:$0x3FFC];
	_ =	sdelay $0x3  }
0x12: {  	_ =	strace s3  }
0x13: {  	s3 =	sld [smem:$0x3FFD];
	_ =	sdelay $0x3  }
0x14: {  	_ =	strace s3  }
0x15: {  	_ =	strace $0x8FFFFFFF  }
0x16: {  	s19 =	sld [smem:$0x3FDB];
	_ =	sdelay $0x1  }
0x17: {  	s20 =	simm.s32 $_scs_section_size  }
0x18: {  	s5 =	simm.s32 $_size__tile_overlayer_lowered;
	s6 =	simm.s32 $_tile_overlayer_lowered  }
0x19: {  	s23 =	simm.s32 $0x1BFF;
	s22 =	sshll.u32 s6, $0x1;
	s3 =	sadd.s32 s20, s19  }
0x1a: {  	s7 =	simm.s32 $0x0;
	s21 =	sshll.u32 s5, $0x1;
	s5 =	sadd.s32 s22, s3  }
0x1b: {  	[timem:s7], [sflag:s23] =	dma.local [hbm:s5], s21  }
0x1c: {  	_ =	swait.ge [sflag:s23], s21  }
0x1d: {  	s4 =	ssub.s32 $0x0, s21;
	[sflag:s23] =	ssyncset.done $0x0  }
0x1e: {  	[sflag:s23] =	ssyncadd.s32 s4;
	_ =	sdelay $0x1  }
0x1f: {  	s24 =	simm.s32 $0x1B8B  }
0x20: {  	_ =	swait.ge [sflag:s24], $0x1  }
0x21: {  	[sflag:s24] =	ssyncset.done $0x0  }
0x22: {  	s26 =	simm.s32 $0x1B8E;
	s25 =	sld [smem:$0x3FFE];
	[sflag:s24] =	ssyncadd.s32 $0xFFFFFFFF  }
0x23: {  	s27 =	simm.s32 $execute0_lowered;
	[smem:$0x3FD2] =	sst s26  }
0x24: {  	s5 =	sshll.u32 s27, $0x1;
	_ =	strace $0x80000046;
	[dreg:$0x1] =	wrdreg $0xFFFFFFFF  }
0x25: {  	s28 =	simm.s32 $_size_execute0_lowered;
	s3 =	sadd.s32 s3, s5;
	[dreg:$0x0] =	wrdreg $0x0  }
0x26: {  	s5 =	sshll.u32 s28, $0x1;
	[dreg:$0x2] =	wrdreg s3  }
0x27: {  	[dreg:$0x3] =	wrdreg s5  }
0x28: {  	[dreg:$0x4] =	wrdreg $0xC0  }
0x29: {  	_ =	task [dreg:s7], $0x5FFFF  }
0x2a: {  	[dreg:$0x1] =	wrdreg $0xFFFFFFFF  }
0x2b: {  	[dreg:$0x0] =	wrdreg $0x60  }
0x2c: {  	[dreg:$0x2] =	wrdreg s17  }
0x2d: {  	[dreg:$0x3] =	wrdreg s25  }
0x2e: {  	[dreg:$0x4] =	wrdreg $0x9  }
0x2f: {  	_ =	task.clear_ibuf [dreg:s7], $0x5FFFF;
	_ =	strace $0x90000046  }
0x30: {  	s29 =	simm.s32 $0x9;
	_ =	strace $0x80000048  }
0x31: {  	_ =	swait.ge [sflag:s29], $0x1  }
0x32: {  	[sflag:s29] =	ssyncadd.s32 $0xFFFFFFFF  }
0x33: {  	_ =	strace $0x90000048  }
0x34: {  	_ =	sfence  }
0x35: {  	s30 =	sld [smem:$0x0];
	_ =	sdelay $0x2  }
0x36: {  	s31 =	sshll.u32 s1, $0xD;
	s1 =	sshrl.u32 s1, $0x2  }
0x37: {  	s3 =	sand.u32 $0x4000, s31;
	s1 =	sadd.s32 s1, s30  }
0x38: {  	s0 =	sor.u32 s3, s0;
	s1 =	sshll.u32 s1, $0x11  }
0x39: {  	s0 =	sor.u32 s1, s0  }
0x3a: {  	s0 =	sadd.s32 $0x8F2B, s0  }
0x3b: {  	[sflag:s0] =	ssyncadd.remote.s32 $0x1  }
0x3c: {  	_ =	sfence.sel $0xFFFF  }
0x3d: {  	[dreg:$0x0] =	wrdreg $0xFFFFFFFF;
	(pc) =	sbr.abs _section_cstart, $3  }
0x3e: {  	[dreg:$0x1] =	wrdreg $0xFFFFFFFF  }
0x3f: {  	_ =	task.clear_ibuf [dreg:s7], $0x2FFFF;
	_ =	strace $0x9FFFFFFF  }
0x40: {  	(tm) =	ssettm $0x7FFFFFFF  }
0x41: {  	_ =	shalt  }
tec
execute0_lowered:
.L_overlay_start_1:
0x0: {  	(tag) =	ssettag $0x1  }
0x1: {  	s1 =	stileid.u32  }
0x2: {  	s0 =	srdreg.scid;
	s31 =	simm.s32 $0x2;
	s18 =	simm.s32 $0x0  }
0x3: {  	s9 =	simm.s32 $0x498000;
	s1 =	sshll.u32 s1, $0x3;
	s0 =	sshll.u32 s0, $0x3  }
0x4: {  	s10 =	simm.s32 $0x0;
	s2 =	sand.u32 $0x8, s0;
	s29 =	ssub.s32 $0xE0, s1  }
0x5: {  	s3 =	sshrl.u32 s29, $0x7;
	s0 =	sand.u32 $0x78, s29;
	s4 =	ssub.s32 $0x10, s2  }
0x6: {  	p0 =	sne.s32 s0, $0x0;
	s0 =	simm.s32 $0x1;
	s5 =	sshrl.u32 s4, $0x3  }
0x7: {  	s6 =	sshrl.u32 s4, $0x4;
	s0 =	simm.s32 @!p0 $0x0;
	s5 =	sand.u32 $0x1, s5  }
0x8: {  	s16 =	simm.s32 $0x0;
	s0 =	sadd.s32 s0, s3;
	s30 =	sadd.s32 s6, s5  }
0x9: {  	s17 =	simm.s32 $0x0;
	s19 =	simm.s32 $0x0;
	s0 =	smul.u32 s30, s0  }
.Ltmp0:
0xa: {  	s11 =	simm.s32 $0x0;
	s4 =	rddreg [dreg:$0x0];
	(pc) =	sbr.rel .LBB1_1-.Ltmp0, $4  }
0xb: {  	s13 =	simm.s32 $0x0;
	s15 =	simm.s32 $0x0;
	s5 =	rddreg [dreg:$0x1]  }
0xc: {  	_ =	strace $0x80000047;
	s6 =	simm.s32 $0x1;
	s7 =	smul.u32 $0x54, s0  }
0xd: {  	s25 =	simm.s32 $0x0;
	s14 =	smov.u32 s1;
	[sflag:s6] =	ssyncpa.u1 $0x0  }
0xe: {  	s12 =	smov.u32 s2;
	[sflag:s31] =	ssyncpa.u1 $0x0;
	s8 =	sor.u32 $0x1, s7  }
.LBB1_7:
0xf: {  	s0 =	sadd.s32 $0x100, s11  }
0x10: {  	s3 =	sadd.s32 $0x10, s12;
	s20 =	smov.u32 s12;
	p1 =	sgt.s32 s0, $0x2FF  }
0x11: {  	s20 =	smov.u32 @p1 s3  }
0x12: {  	s3 =	simm.s32 $0x1;
	p2 =	sgt.s32 s20, $0xF  }
0x13: {  	s3 =	simm.s32 @!p2 $0x0  }
0x14: {  	s3 =	sadd.s32 s3, s13  }
0x15: {  	s16 =	sadd.s32 $0x80, s14;
	s21 =	smov.u32 s14;
	p3 =	sgt.s32 s3, $0x1B  }
0x16: {  	p0 =	slt.u32 s15, $0x2;
	s21 =	smov.u32 @p3 s16  }
0x17: {  	s18 =	smov.u32 s11;
	s0 =	simm.s32 @p1 $0x0;
	p1 =	sgt.s32 s21, $0xDF  }
0x18: {  	s22 =	simm.s32 @!p0 $0x2;
	s21 =	smov.u32 @p1 s1;
	p1 =	sne.s32 s15, s8  }
.Ltmp1:
0x19: {  	s17 =	smov.u32 s13;
	_ =	swait.ge @!p0 [sflag:s22], $0x4000;
	(pc) =	sbr.rel @!p1 .LBB1_8-.Ltmp1, $4  }
0x1a: {  	s19 =	smov.u32 s14;
	s10 =	sadd.s32 $0x4000, s10;
	[sflag:s22] =	ssyncset.done @!p0 $0x0  }
0x1b: {  	s11 =	smov.u32 s0;
	s20 =	smov.u32 @p2 s2;
	[sflag:s22] =	ssyncadd.s32 @!p0 $0xFFFFC000  }
0x1c: {  	s3 =	simm.s32 @p3 $0x0;
	s16 =	smov.u32 s12;
	s12 =	smov.u32 s20  }
0x1d: {  	s13 =	smov.u32 s3;
	s15 =	sadd.s32 $0x1, s15;
	s14 =	smov.u32 s21  }
.LBB1_1:
0x1e: {  	p0 =	sge.u32 s15, s7  }
0x1f: {  	s0 =	sshrl.u32 @!p0 s12, $0x3  }
0x20: {  	s3 =	sshll.u32 @!p0 s11, $0x3;
	s0 =	smul.u32 @!p0 $0x1800, s0  }
0x21: {  	s20 =	sshll.u32 @!p0 s12, $0x7;
	s3 =	sand.u32 @!p0 $0xFFFFFC00, s3  }
0x22: {  	s0 =	sadd.s32 @!p0 s0, s3;
	s3 =	sand.u32 @!p0 $0x380, s20  }
0x23: {  	s20 =	sand.u32 @!p0 $0x7F, s11;
	s0 =	sor.u32 @!p0 s3, s0  }
0x24: {  	s3 =	sor.u32 @!p0 s20, s0  }
0x25: {  	s20 =	smulhi.u32 @!p0 $0xAAAAAAAB, s3  }
0x26: {  	s0 =	smulhi.u32 @!p0 $0xAAAAAAAB, s0  }
0x27: {  	s31 =	sadd.s32 $0xFFFFFFFF, s15;
	s22 =	smul.u32 @!p0 $0xA800, s14;
	s20 =	sshrl.u32 @!p0 s20, $0x9  }
0x28: {  	s21 =	sxor.u32 @!p0 $0xFFFFFFFF, s15;
	s0 =	sshrl.u32 @!p0 s0, $0x9;
	s20 =	smul.u32 @!p0 $0x300, s20  }
0x29: {  	s23 =	smul.u32 @!p0 $0x600, s13;
	s21 =	sshll.u32 @!p0 s21, $0xE;
	s0 =	sand.u32 @!p0 $0xF, s0  }
0x2a: {  	s0 =	smul.u32 @!p0 $0x60, s0;
	s3 =	ssub.s32 @!p0 s3, s20;
	s20 =	sadd.s32 @!p0 s4, s22  }
0x2b: {  	s21 =	sand.u32 @!p0 $0x4000, s21;
	s20 =	sadd.s32 @!p0 s23, s20;
	s22 =	sand.u32 @!p0 $0x7, s3  }
0x2c: {  	s3 =	sshrl.u32 @!p0 s3, $0x3;
	s0 =	sadd.s32 @!p0 s0, s20;
	s20 =	sshll.u32 @!p0 s22, $0x12  }
0x2d: {  	s0 =	sadd.s32 @!p0 s3, s0;
	s3 =	sor.u32 @!p0 $0x800, s20;
	s20 =	simm.s32 @!p0 $0x54000  }
0x2e: {  	[tilespmem:s21], [sflag:$0x1] =	stream.strided.gather @!p0 [hbm4b:s0+s3], $0x4000, s20, s3, $0x38;
	[tilespmem:$0x10000] =	vst v63  }
0x2f: {  	p0 =	sge.u32 s31, s7  }
.Ltmp2:
0x30: {  	_ = 	snop;
	(pc) =	sbr.rel @p0 .LBB1_7-.Ltmp2, $1  }
0x31: {  	_ =	sdelay $0x3  }
0x32: {  	s0 =	sshll.u32 s10, $0x2;
	_ =	swait.ge [sflag:s6], $0x4000;
	s3 =	sshll.u32 s15, $0xE  }
0x33: {  	p0 =	por $0x0, $0x0;
	s26 =	simm.s32 $0x0;
	s27 =	simm.s32 $0x0  }
0x34: {  	s0 =	sand.u32 $0x10000, s0;
	[sflag:s6] =	ssyncset.done $0x0;
	s23 =	sand.u32 $0x4000, s3  }
0x35: {  	s0 =	sshrl.u32 s0, $0x2;
	[sflag:s6] =	ssyncadd.s32 $0xFFFFC000;
	s20 =	sor.u32 $0x8000, s23  }
0x36: {  	s21 =	sor.u32 $0x40, s0;
	s22 =	sor.u32 $0x8410, s0;
	s24 =	sadd.s32 $0x8400, s0  }
.LBB1_3:
0x37: {  	v1 =	vld [tilespmem:s21+$0xFFFFFFD0]  }
0x38: {  	v2 =	vld [tilespmem:s21+$0x430]  }
0x39: {  	s0 =	sshll.u32 s27, $0xB;
	v4 =	vld [tilespmem:s21+$0xFFFFFFE0]  }
0x3a: {  	v7 =	vld [tilespmem:s21+$0xFFFFFFF0];
	v0 =	vmov s0  }
0x3b: {  	v8 =	vld [tilespmem:s21+$0x0]  }
0x3c: {  	v9 =	vld [tilespmem:s21+$0x10];
	s0 =	sand.u32 $0x300, s25  }
0x3d: {  	s3 =	sand.u32 $0x80, s25;
	v10 =	vld [tilespmem:s21+$0x20];
	s0 =	sadd.s32 s0, s23  }
0x3e: {  	v11 =	vld [tilespmem:s21+$0x30];
	s0 =	sadd.s32 s3, s0;
	s3 =	simm.s32 $0x1;
	[tilespmem:s22+$0x60] =	vst v2  }
0x3f: {  	s3 =	simm.s32 @!p0 $0x0;
	[tilespmem:s22+$0xFFFFFC00] =	vst v1;
	v3 =	vld.idx.msk [tilespmem:v0+s0+$0x400 ss:$0x1], $0xffff;
	s0 =	sshll.u32 s26, $0x2  }
0x40: {  	v6 =	vld [tilespmem:s21+$0x3D0];
	s3 =	sshll.u32 s3, $0x9;
	[tilespmem:s22+$0xFFFFFC10] =	vst v4;
	s0 =	sand.u32 $0xFFFFFC00, s0  }
0x41: {  	v5 =	vld [tilespmem:s21+$0x3E0];
	[tilespmem:s22+$0xFFFFFC20] =	vst v7;
	s0 =	sor.u32 s3, s0  }
0x42: {  	[tilespmem:s22+$0xFFFFFC30] =	vst v8;
	v4 =	vld [tilespmem:s21+$0x400];
	s0 =	sshrl.u32 s0, $0x2  }
0x43: {  	[tilespmem:s22+$0xFFFFFC40] =	vst v9;
	v1 =	vld [tilespmem:s21+$0x410];
	s28 =	sadd.s32 s0, s24  }
0x44: {  	[tilespmem:s28+$0x0] =	vst v3;
	v3 =	vld [tilespmem:s21+$0x3F0]  }
0x45: {  	s31 =	simm.s32 $0x100;
	[tilespmem:s22+$0xFFFFFC50] =	vst v10;
	v2 =	vld [tilespmem:s21+$0x420];
	s3 =	simm.s32 $0x80  }
0x46: {  	s29 =	sadd.s32 $0x80, s21;
	s30 =	smov.u32 s22;
	v7 =	vld [tilespmem:s21+$0xFFFFFFC0];
	[tilespmem:s22+$0xFFFFFC60] =	vst v11;
	s0 =	sand.u32 $0x300, s3  }
.LBB1_4:
0x47: {  	p1 =	sne.s32 s31, $0x380;
	v8 =	vld [tilespmem:s29+$0xFFFFFFD0];
	s3 =	sand.u32 $0x80, s3;
	s0 =	sadd.s32 s0, s23;
	[tilespmem:s30+$0x0] =	vst v6  }
0x48: {  	s0 =	sadd.s32 s3, s0;
	v6 =	vld [tilespmem:s29+$0x430];
	[tilespmem:s30+$0x10] =	vst v5;
	s3 =	smov.u32 s31  }
0x49: {  	v5 =	vld.idx.msk [tilespmem:v0+s0+$0x400 ss:$0x1], $0xffff;
	[tilespmem:s30+$0x20] =	vst v3  }
0x4a: {  	v3 =	vld [tilespmem:s29+$0xFFFFFFE0];
	[tilespmem:s30+$0x30] =	vst v4  }
0x4b: {  	v4 =	vld [tilespmem:s29+$0xFFFFFFF0];
	[tilespmem:s30+$0xFFFFFBF0] =	vst v7  }
0x4c: {  	v7 =	vld [tilespmem:s29+$0x0];
	[tilespmem:s30+$0x40] =	vst v1  }
0x4d: {  	v1 =	vld [tilespmem:s29+$0x10];
	[tilespmem:s30+$0x50] =	vst v2;
	s30 =	sadd.s32 $0x800, s30  }
0x4e: {  	s28 =	sadd.s32 $0x800, s28;
	v2 =	vld [tilespmem:s29+$0x20];
	[tilespmem:s30+$0x60] =	vst v6  }
0x4f: {  	v9 =	vld [tilespmem:s29+$0x30];
	[tilespmem:s28+$0x0] =	vst v5  }
0x50: {  	[tilespmem:s30+$0xFFFFFC00] =	vst v8;
	v6 =	vld [tilespmem:s29+$0x3D0]  }
0x51: {  	[tilespmem:s30+$0xFFFFFC10] =	vst v3;
	v5 =	vld [tilespmem:s29+$0x3E0]  }
.Ltmp3:
0x52: {  	[tilespmem:s30+$0xFFFFFC20] =	vst v4;
	v3 =	vld [tilespmem:s29+$0x3F0];
	(pc) =	sbr.rel @p1 .LBB1_4-.Ltmp3, $4  }
0x53: {  	[tilespmem:s30+$0xFFFFFC30] =	vst v7;
	v4 =	vld [tilespmem:s29+$0x400]  }
0x54: {  	[tilespmem:s30+$0xFFFFFC40] =	vst v1;
	v1 =	vld [tilespmem:s29+$0x410]  }
0x55: {  	[tilespmem:s30+$0xFFFFFC50] =	vst v2;
	v2 =	vld [tilespmem:s29+$0x420]  }
0x56: {  	s31 =	sadd.s32 $0x80, s31;
	s0 =	sand.u32 $0x300, s3;
	v7 =	vld [tilespmem:s29+$0xFFFFFFC0];
	[tilespmem:s30+$0xFFFFFC60] =	vst v9;
	s29 =	sadd.s32 $0x80, s29  }
0x57: {  	[tilespmem:s30+$0x0] =	vst v6  }
0x58: {  	[tilespmem:s30+$0x10] =	vst v5  }
0x59: {  	v49 =	vld [tilespmem:s29+$0x430];
	[tilespmem:s30+$0x20] =	vst v3  }
0x5a: {  	v50 =	vld [tilespmem:s29+$0xFFFFFFD0];
	[tilespmem:s30+$0x30] =	vst v4  }
0x5b: {  	v51 =	vld [tilespmem:s29+$0xFFFFFFE0];
	[tilespmem:s30+$0x40] =	vst v1  }
0x5c: {  	v52 =	vld [tilespmem:s29+$0xFFFFFFF0];
	[tilespmem:s30+$0x50] =	vst v2  }
0x5d: {  	v53 =	vld [tilespmem:s29+$0x0];
	[tilespmem:s30+$0xFFFFFBF0] =	vst v7;
	s30 =	sadd.s32 $0x800, s30  }
0x5e: {  	v54 =	vld [tilespmem:s29+$0x10];
	[tilespmem:s30+$0x60] =	vst v49  }
0x5f: {  	v55 =	vld [tilespmem:s29+$0x20];
	[tilespmem:s30+$0xFFFFFC00] =	vst v50  }
0x60: {  	v56 =	vld [tilespmem:s29+$0x30];
	[tilespmem:s30+$0xFFFFFC10] =	vst v51  }
0x61: {  	v57 =	vld [tilespmem:s29+$0x3D0];
	[tilespmem:s30+$0xFFFFFC20] =	vst v52  }
0x62: {  	v58 =	vld [tilespmem:s29+$0x3E0];
	[tilespmem:s30+$0xFFFFFC30] =	vst v53  }
0x63: {  	v59 =	vld [tilespmem:s29+$0x3F0];
	[tilespmem:s30+$0xFFFFFC40] =	vst v54  }
0x64: {  	v60 =	vld [tilespmem:s29+$0x400];
	[tilespmem:s30+$0xFFFFFC50] =	vst v55  }
0x65: {  	v61 =	vld [tilespmem:s29+$0xFFFFFFC0];
	[tilespmem:s30+$0xFFFFFC60] =	vst v56  }
0x66: {  	s3 =	sand.u32 $0x80, s3;
	s0 =	sadd.s32 s0, s23;
	v62 =	vld [tilespmem:s29+$0x410];
	[tilespmem:s30+$0x0] =	vst v57  }
0x67: {  	v63 =	vld [tilespmem:s29+$0x420];
	s27 =	sadd.s32 $0x1, s27;
	s0 =	sadd.s32 s3, s0;
	[tilespmem:s30+$0x10] =	vst v58  }
0x68: {  	p1 =	sne.s32 s27, $0x8;
	v0 =	vld.idx.msk [tilespmem:v0+s0+$0x400 ss:$0x1], $0xffff;
	[tilespmem:s30+$0x20] =	vst v59  }
.Ltmp4:
0x69: {  	[tilespmem:s30+$0x30] =	vst v60;
	(pc) =	sbr.rel @p1 .LBB1_3-.Ltmp4, $4  }
0x6a: {  	[tilespmem:s30+$0xFFFFFBF0] =	vst v61  }
0x6b: {  	[tilespmem:s30+$0x40] =	vst v62  }
0x6c: {  	s31 =	sadd.s32 $0x800, s28;
	s21 =	sadd.s32 $0x800, s21;
	[tilespmem:s30+$0x50] =	vst v63  }
0x6d: {  	s26 =	sadd.s32 $0x80, s26;
	p0 =	por !p0, !p0;
	s22 =	sadd.s32 $0x80, s22;
	[tilespmem:s31+$0x0] =	vst v0  }
0x6e: {  	s0 =	sshrl.u32 s19, $0x3  }
0x6f: {  	s3 =	sshll.u32 s18, $0x3;
	s0 =	smul.u32 $0x1800, s0  }
0x70: {  	s24 =	sshll.u32 s19, $0x7;
	s3 =	sand.u32 $0xFFFFFC00, s3  }
0x71: {  	s26 =	sand.u32 $0x380, s24;
	s0 =	sadd.s32 s0, s3  }
0x72: {  	s27 =	sand.u32 $0x7F, s18;
	s0 =	sor.u32 s26, s0  }
0x73: {  	s3 =	sor.u32 s27, s0;
	s0 =	smulhi.u32 $0xAAAAAAAB, s0;
	_ =	sdelay $0x1  }
0x74: {  	s17 =	smul.u32 $0x5400, s17;
	s0 =	sshrl.u32 s0, $0x9  }
0x75: {  	s28 =	smulhi.u32 $0x124924A, s0  }
0x76: {  	s18 =	smulhi.u32 $0xAAAAAAAB, s3  }
0x77: {  	s19 =	smul.u32 $0xE0, s28  }
0x78: {  	s16 =	smul.u32 $0x93000, s16;
	s18 =	sshrl.u32 s18, $0x9  }
0x79: {  	s18 =	smul.u32 $0x300, s18;
	s0 =	ssub.s32 s0, s19  }
0x7a: {  	s0 =	smul.u32 $0x60, s0  }
.Ltmp5:
0x7b: {  	s17 =	sadd.s32 s5, s17;
	s3 =	ssub.s32 s3, s18;
	(pc) =	sbr.rel .LBB1_7-.Ltmp5, $4  }
0x7c: {  	s16 =	sadd.s32 s16, s17;
	s29 =	sand.u32 $0x7, s3  }
0x7d: {  	s3 =	sshrl.u32 s3, $0x3;
	s30 =	sshll.u32 s29, $0x12;
	s0 =	sadd.s32 s0, s16  }
0x7e: {  	s31 =	sor.u32 $0x800, s30;
	s0 =	sadd.s32 s3, s0  }
0x7f: {  	[hbm4b:s0+s31] =	stream.strided.scatter [tilespmem:s20], [sflag:$0x2], $0x4000, s9, s31, $0x38;
	[tilespmem:$0x10000] =	vst v63  }
.LBB1_8:
0x80: {  	_ =	sfence.sel $0x180000  }
0x81: {  	s0 =	simm.s32 $0x1;
	[bflag:$0x0] =	sbarrier.arrive $0xFFFF  }
0x82: {  	s30 =	simm.s32 $0x2;
	[sflag:s0] =	ssyncpa.u1 $0x1  }
0x83: {  	[sflag:s30] =	ssyncpa.u1 $0x1  }
0x84: {  	_ =	strace $0x90000047  }
0x85: {  	s31 =	stileid.u32;
	[bflag:$0x2] =	sbarrier.arrive $0xFFFF  }
0x86: {  	p0 =	sne.s32 s31, $0x0;
	s0 =	rddreg [dreg:$0x2]  }
0x87: {  	s0 =	sadd.s32 @!p0 $0x100000, s0  }
0x88: {  	[sflag:s0] =	ssyncadd.tile.s32 @!p0 $0x1;
	_ =	shalt  }
.Lfunc_end1:
_tile_overlayer_lowered:
.L_overlay_start_2:
0x89: {  	(tag) =	ssettag $0x2  }
0x8a: {  	s0 =	rddreg [dreg:$0x0];
	s2 =	stileid.u32  }
0x8b: {  	s1 =	rddreg [dreg:$0x1];
	p0 =	sne.s32 s2, $0x0  }
0x8c: {  	s3 =	rddreg [dreg:$0x2];
	[bflag:$0x3] =	sbarrier.arrive $0xFFFF;
	s2 =	simm.s32 @!p0 $0x1C01  }
0x8d: {  	[timem:s3], [sflag:s2] =	dma.local @!p0 [hbm:s0], s1  }
0x8e: {  	s0 =	simm.s32 @!p0 $0x1  }
0x8f: {  	_ =	swait.ge @!p0 [sflag:s0], s1  }
0x90: {  	s1 =	ssub.s32 @!p0 $0x0, s1;
	[sflag:s0] =	ssyncset.done @!p0 $0x0  }
0x91: {  	[sflag:s0] =	ssyncadd.s32 @!p0 s1  }
0x92: {  	[bflag:$0x3] =	sbarrier.arrive $0xFFFF  }
0x93: {  	_ =	shalt  }

// kernel: sparse-core-data-format-call.cloned.1.call-start
scs
called_computation_lowered:
.L_overlay_start_0:
0x0: {  	s2 =	sld [smem:$0x3FD9]  }
0x1: {  	s3 =	sld [smem:$0x3FFE];
	_ =	sdelay $0x1  }
0x2: {  	s1 =	srdreg.scid  }
0x3: {  	s0 =	sand.u32 $0x1, s1  }
0x4: {  	s16 =	sshll.u32 s0, $0xA;
	s2 =	sadd.s32 s3, s2  }
0x5: {  	s2 =	sadd.s32 s2, s16  }
0x6: {  	[smem:$0x3FB5] =	sst s2  }
0x7: {  	_ = 	snop  }
0x8: {  	s2 =	sld [smem:$0x3FD0];
	_ =	sdelay $0x2  }
0x9: {  	s17 =	simm.s32 $0xB;
	s4 =	simm.s32 $0x10  }
0xa: {  	[smem:s4], [sflag:s17] =	dma.local [hbm:s2], $0x1  }
0xb: {  	_ =	swait.eq [sflag:s17], $0x1  }
0xc: {  	[sflag:s17] =	ssyncset.done $0x0  }
0xd: {  	[sflag:s17] =	ssyncadd.s32 $0xFFFFFFFF  }
0xe: {  	s18 =	sld [smem:$0x10];
	(tm) =	ssettm $0x1  }
0xf: {  	s19 =	sld [smem:$0x3FFB];
	_ =	sdelay $0x3  }
0x10: {  	_ =	strace s19  }
0x11: {  	s2 =	sld [smem:$0x3FFC];
	_ =	sdelay $0x3  }
0x12: {  	_ =	strace s2  }
0x13: {  	s2 =	sld [smem:$0x3FFD];
	_ =	sdelay $0x3  }
0x14: {  	_ =	strace s2  }
0x15: {  	_ =	strace $0x8FFFFFFF  }
0x16: {  	s20 =	sld [smem:$0x3FDB];
	_ =	sdelay $0x1  }
0x17: {  	s21 =	simm.s32 $_scs_section_size  }
0x18: {  	s5 =	simm.s32 $_size__tile_overlayer_lowered;
	s6 =	simm.s32 $_tile_overlayer_lowered  }
0x19: {  	s7 =	simm.s32 $0x1BFF;
	s22 =	sshll.u32 s6, $0x1;
	s4 =	sadd.s32 s21, s20  }
0x1a: {  	s23 =	simm.s32 $0x0;
	s5 =	sshll.u32 s5, $0x1;
	s6 =	sadd.s32 s22, s4  }
0x1b: {  	[timem:s23], [sflag:s7] =	dma.local [hbm:s6], s5  }
0x1c: {  	_ =	swait.ge [sflag:s7], s5  }
0x1d: {  	s5 =	ssub.s32 $0x0, s5;
	[sflag:s7] =	ssyncset.done $0x0  }
0x1e: {  	[sflag:s7] =	ssyncadd.s32 s5;
	_ =	sdelay $0x1  }
0x1f: {  	s24 =	simm.s32 $0x1B8B  }
0x20: {  	_ =	swait.ge [sflag:s24], $0x1  }
0x21: {  	[sflag:s24] =	ssyncset.done $0x0  }
0x22: {  	[sflag:s24] =	ssyncadd.s32 $0xFFFFFFFF  }
0x23: {  	s5 =	sld [smem:$0x0]  }
0x24: {  	s6 =	sand.u32 $0xFFFFFFFE, s1  }
0x25: {  	p0 =	sne.s32 s1, s6  }
0x26: {  	s6 =	sshll.u32 @p0 s6, $0xE  }
0x27: {  	s6 =	sadd.s32 @p0 $0x11B8D, s6;
	s7 =	sshll.u32 @p0 s5, $0x11  }
0x28: {  	s6 =	sor.u32 @p0 s7, s6  }
0x29: {  	[sflag:s6] =	ssyncadd.remote.s32 @p0 $0x1;
	_ =	sdelay $0x1  }
0x2a: {  	s6 =	simm.s32 @p0 $0x1B8D  }
0x2b: {  	_ =	swait.eq @p0 [sflag:s6], $0x1  }
0x2c: {  	[sflag:s6] =	ssyncadd.s32 @p0 $0xFFFFFFFF  }
0x2d: {  	s7 =	sshll.u32 @!p0 s1, $0xE  }
0x2e: {  	s7 =	sor.u32 @!p0 $0x4000, s7;
	s6 =	simm.s32 @!p0 $0x1B8D  }
0x2f: {  	s5 =	sshll.u32 @!p0 s5, $0x11;
	s7 =	sadd.s32 @!p0 $0x11B8D, s7;
	_ =	swait.eq @!p0 [sflag:s6], $0x1  }
0x30: {  	s5 =	sor.u32 @!p0 s5, s7;
	[sflag:s6] =	ssyncadd.s32 @!p0 $0xFFFFFFFF  }
0x31: {  	s26 =	simm.s32 $0x1B8E;
	s25 =	sld [smem:$0x3FFE];
	[sflag:s5] =	ssyncadd.remote.s32 @!p0 $0x1  }
0x32: {  	s27 =	simm.s32 $execute0_lowered;
	[smem:$0x3FD2] =	sst s26  }
0x33: {  	s6 =	sshll.u32 s27, $0x1;
	_ =	strace $0x8000004F;
	[dreg:$0x1] =	wrdreg $0xFFFFFFFF  }
0x34: {  	s28 =	simm.s32 $_size_execute0_lowered;
	s4 =	sadd.s32 s4, s6;
	[dreg:$0x0] =	wrdreg $0x0  }
0x35: {  	s6 =	sshll.u32 s28, $0x1;
	[dreg:$0x2] =	wrdreg s4  }
0x36: {  	[dreg:$0x3] =	wrdreg s6  }
0x37: {  	[dreg:$0x4] =	wrdreg $0xC0  }
0x38: {  	_ =	task [dreg:s23], $0x5FFFF  }
0x39: {  	[dreg:$0x1] =	wrdreg $0xFFFFFFFF  }
0x3a: {  	[dreg:$0x0] =	wrdreg $0x60  }
0x3b: {  	[dreg:$0x2] =	wrdreg s25  }
0x3c: {  	[dreg:$0x3] =	wrdreg s18  }
0x3d: {  	[dreg:$0x4] =	wrdreg $0xA  }
0x3e: {  	_ =	task.clear_ibuf [dreg:s23], $0x5FFFF;
	_ =	strace $0x9000004F  }
0x3f: {  	s29 =	simm.s32 $0xA;
	_ =	strace $0x80000051  }
0x40: {  	_ =	swait.ge [sflag:s29], $0x1  }
0x41: {  	[sflag:s29] =	ssyncadd.s32 $0xFFFFFFFF  }
0x42: {  	_ =	strace $0x90000051  }
0x43: {  	_ =	sfence  }
0x44: {  	s30 =	sld [smem:$0x0];
	_ =	sdelay $0x2  }
0x45: {  	s31 =	sshll.u32 s1, $0xD;
	s1 =	sshrl.u32 s1, $0x2  }
0x46: {  	s4 =	sand.u32 $0x4000, s31;
	s1 =	sadd.s32 s1, s30  }
0x47: {  	s0 =	sor.u32 s4, s0;
	s1 =	sshll.u32 s1, $0x11  }
0x48: {  	s0 =	sor.u32 s1, s0  }
0x49: {  	s0 =	sadd.s32 $0x8F2B, s0  }
0x4a: {  	[sflag:s0] =	ssyncadd.remote.s32 $0x1  }
0x4b: {  	_ =	sfence.sel $0xFFFF  }
0x4c: {  	[dreg:$0x0] =	wrdreg $0xFFFFFFFF;
	(pc) =	sbr.abs _section_cstart, $3  }
0x4d: {  	[dreg:$0x1] =	wrdreg $0xFFFFFFFF  }
0x4e: {  	_ =	task.clear_ibuf [dreg:s23], $0x2FFFF;
	_ =	strace $0x9FFFFFFF  }
0x4f: {  	(tm) =	ssettm $0x7FFFFFFF  }
tec
execute0_lowered:
.L_overlay_start_1:
0x0: {  	(tag) =	ssettag $0x1  }
0x1: {  	s0 =	stileid.u32;
	s29 =	rddreg [dreg:$0x0]  }
0x2: {  	s30 =	srdreg.scid;
	_ =	strace $0x80000050;
	s4 =	simm.s32 $0x1  }
0x3: {  	s9 =	simm.s32 $0x2;
	s22 =	simm.s32 $0x0;
	p0 =	por $0x0, $0x0  }
0x4: {  	s24 =	simm.s32 $0x0;
	s23 =	simm.s32 $0x0;
	s25 =	simm.s32 $0x0  }
0x5: {  	s26 =	simm.s32 $0x0;
	s11 =	simm.s32 $0x0;
	s2 =	sshll.u32 s0, $0x6  }
0x6: {  	s13 =	simm.s32 $0x0;
	s1 =	sand.u32 $0x1, s0;
	s3 =	sand.u32 $0x80, s2  }
0x7: {  	s14 =	simm.s32 $0x0;
	s5 =	ssub.s32 $0x2, s1;
	s6 =	ssub.s32 $0x100, s3  }
0x8: {  	s16 =	simm.s32 $0x0;
	s7 =	sshrl.u32 s5, $0x1;
	s8 =	sshrl.u32 s6, $0x7  }
0x9: {  	s5 =	sand.u32 $0x1, s5;
	s6 =	sshrl.u32 s6, $0x8;
	s8 =	sand.u32 $0x1, s8  }
0xa: {  	s19 =	simm.s32 $0x0;
	s5 =	sadd.s32 s5, s7;
	s6 =	sadd.s32 s6, s8  }
0xb: {  	s21 =	simm.s32 $0x0;
	s31 =	sshll.u32 s30, $0x4;
	s8 =	smul.u32 s6, s5  }
.Ltmp0:
0xc: {  	[sflag:s4] =	ssyncpa.u1 $0x0;
	s2 =	sadd.s32 $0x9AA800, s29;
	(pc) =	sbr.rel .LBB1_1-.Ltmp0, $4  }
0xd: {  	s4 =	simm.s32 $0x0;
	[dreg:$0x3] =	wrdreg s2;
	s2 =	sand.u32 $0x10, s31  }
0xe: {  	[sflag:s9] =	ssyncpa.u1 $0x0;
	s2 =	sor.u32 s0, s2;
	s7 =	smul.u32 $0xA8, s8  }
0xf: {  	s20 =	smov.u32 s1;
	s18 =	smov.u32 s3;
	s8 =	sshrl.u32 s2, $0x2  }
0x10: {  	s5 =	simm.s32 $0x0;
	s17 =	smov.u32 s8;
	s9 =	sor.u32 $0x1, s7  }
.LBB1_4:
0x11: {  	v5 =	vld [tilespmem:s28+$0xFFFFFFD0]  }
0x12: {  	v58 =	vld [tilespmem:s28+$0xFFFFFFE0]  }
0x13: {  	[tilespmem:s29+$0x2040 ss:$0x81] =	vst.msk $0xffff, v4;
	v59 =	vld [tilespmem:s28+$0xFFFFFFF0]  }
0x14: {  	s0 =	sshll.u32 s11, $0x8;
	s2 =	sshll.u32 s13, $0x3;
	s31 =	sshra.s32 s31, $0x2;
	[tilespmem:s29+$0x2850 ss:$0x81] =	vst.msk $0xffff, v3;
	v60 =	vld [tilespmem:s28+$0x0]  }
0x15: {  	p1 =	sgt.s32 s4, $0x1;
	s15 =	smov.u32 s4;
	s10 =	sshra.s32 s4, $0x1F;
	[tilespmem:s29+$0x3060 ss:$0x81] =	vst.msk $0xffff, v2;
	v61 =	vld [tilespmem:s28+$0x10]  }
0x16: {  	p2 =	sgt.s32 s13, $0x80;
	s12 =	sshra.s32 s13, $0x1F;
	[tilespmem:s29+$0x0 ss:$0x81] =	vst.msk $0xffff, v1;
	v62 =	vld [tilespmem:s28+$0x20];
	s29 =	smul.u32 $0x498000, s4  }
0x17: {  	v63 =	vld [tilespmem:s28+$0xFFFFFFC0];
	s28 =	smul.u32 $0x1C00, s5;
	s0 =	sand.u32 $0xFFFFF800, s0;
	s2 =	sand.u32 $0xFFFFFC00, s2  }
0x18: {  	s30 =	sadd.s32 s31, s30;
	s31 =	sshll.u32 s11, $0x7;
	s15 =	simm.s32 @!p1 $0x1  }
0x19: {  	s10 =	sand.u32 s10, s4;
	p1 =	sgt.s32 s14, $0x2;
	s0 =	sadd.s32 s2, s0  }
0x1a: {  	s6 =	sand.u32 $0x300, s31;
	s2 =	sxor.u32 $0xFFFFFFFF, s10;
	s10 =	smov.u32 s14  }
0x1b: {  	s31 =	sand.u32 $0x80, s31;
	s0 =	sor.u32 s6, s0;
	s6 =	sshra.s32 s14, $0x1F  }
0x1c: {  	s2 =	sadd.s32 s2, s15;
	s10 =	simm.s32 @!p1 $0x2;
	s6 =	sand.u32 s6, s14  }
0x1d: {  	s15 =	sand.u32 s12, s13;
	s12 =	smov.u32 s5;
	s6 =	ssub.s32 s10, s6  }
0x1e: {  	p1 =	sgt.s32 s2, $0x0;
	s2 =	ssub.s32 $0x1, s2;
	s10 =	sadd.s32 $0xFFFFFFFE, s6  }
0x1f: {  	s2 =	simm.s32 @p1 $0x0;
	p1 =	sgt.s32 s10, $0x0;
	s10 =	smov.u32 s13  }
0x20: {  	s0 =	sshrl.u32 s0, $0x8;
	s6 =	ssub.s32 $0x3, s6;
	s10 =	simm.s32 @!p2 $0x80  }
0x21: {  	p2 =	sgt.s32 s5, $0xDF;
	s10 =	ssub.s32 s10, s15;
	s15 =	sshra.s32 s5, $0x1F  }
0x22: {  	s6 =	simm.s32 @p1 $0x0;
	s12 =	simm.s32 @!p2 $0xDF;
	s15 =	sand.u32 s15, s5  }
0x23: {  	s2 =	smul.u32 s2, s6;
	s6 =	ssub.s32 s12, s15;
	s12 =	sadd.s32 $0xFFFFFF80, s10  }
0x24: {  	s10 =	ssub.s32 $0x100, s10;
	s15 =	sadd.s32 $0xFFFFFF21, s6;
	p2 =	sgt.s32 s12, $0x7F  }
0x25: {  	s12 =	smulhi.u32 $0x124924A, s0;
	s6 =	ssub.s32 $0xE0, s6;
	p1 =	sgt.s32 s15, $0x0  }
0x26: {  	s10 =	simm.s32 @p2 $0x0;
	p2 =	sgt.s32 s11, $0x60;
	s15 =	smov.u32 s11  }
0x27: {  	s2 =	smul.u32 s10, s2;
	s10 =	sshra.s32 s11, $0x1F;
	s15 =	simm.s32 @!p2 $0x60  }
0x28: {  	s12 =	smul.u32 $0xE0, s12;
	s6 =	simm.s32 @p1 $0x0;
	s10 =	sand.u32 s10, s11  }
0x29: {  	[tilespmem:s30+$0x3870 ss:$0x81] =	vst.msk $0xffff, v0;
	s10 =	ssub.s32 s15, s10;
	s15 =	sand.u32 $0x78, s13;
	s2 =	smul.u32 s6, s2  }
0x2a: {  	[tilespmem:s30+$0x810 ss:$0x81] =	vst.msk $0xffff, v5;
	s0 =	ssub.s32 s0, s12;
	s6 =	sor.u32 s15, s31;
	s31 =	sadd.s32 $0xFFFFFFA0, s10  }
0x2b: {  	[tilespmem:s30+$0x1020 ss:$0x81] =	vst.msk $0xffff, v58;
	s15 =	smul.u32 $0x188000, s14;
	p1 =	sgt.s32 s31, $0x7F;
	s31 =	rddreg [dreg:$0x1]  }
0x2c: {  	[tilespmem:s30+$0x1830 ss:$0x81] =	vst.msk $0xffff, v59;
	s10 =	ssub.s32 $0xE0, s10;
	s0 =	sshll.u32 s0, $0x5;
	s29 =	sadd.s32 s31, s29  }
0x2d: {  	[tilespmem:s30+$0x2040 ss:$0x81] =	vst.msk $0xffff, v60;
	s6 =	sshrl.u32 s6, $0x3;
	s10 =	simm.s32 @p1 $0x0;
	s15 =	sadd.s32 s15, s29  }
0x2e: {  	[tilespmem:s30+$0x2850 ss:$0x81] =	vst.msk $0xffff, v61;
	s2 =	smul.u32 s10, s2;
	s10 =	sadd.s32 s28, s15;
	s28 =	sand.u32 $0x7, s13  }
0x2f: {  	[tilespmem:s30+$0x3060 ss:$0x81] =	vst.msk $0xffff, v62;
	s31 =	simm.s32 $0x800;
	s6 =	sadd.s32 s6, s10;
	s29 =	sshll.u32 s28, $0x12  }
0x30: {  	[tilespmem:s30+$0x0 ss:$0x81] =	vst.msk $0xffff, v63;
	s2 =	sand.u32 $0x3FFFFFFF, s2;
	s0 =	sadd.s32 s0, s6;
	s30 =	sor.u32 $0x400, s29  }
0x31: {  	[hbm4b:s0+s30] =	stream.strided.scatter [tilespmem:s27], [sflag:$0x2], s2, s31, s30, $0x20;
	[tilespmem:$0x10100] =	vst v63  }
.LBB1_5:
0x32: {  	p1 =	slt.u32 s21, $0x2;
	s2 =	smov.u32 s26  }
0x33: {  	s10 =	smov.u32 s24;
	s27 =	smov.u32 s17;
	p0 =	por !p0, !p0  }
0x34: {  	p2 =	sgt.s32 @!p1 s26, $0x1;
	s0 =	sshra.s32 @!p1 s26, $0x1F;
	p3 =	sgt.s32 @!p1 s25, $0x2  }
0x35: {  	s6 =	sshra.s32 @!p1 s25, $0x1F;
	s12 =	sshra.s32 @!p1 s24, $0x1F;
	s15 =	sshra.s32 @!p1 s23, $0x1F  }
0x36: {  	p2 =	por !p2, p1;
	s0 =	sand.u32 @!p1 s0, s26;
	p3 =	por !p3, p1  }
0x37: {  	s6 =	sand.u32 @!p1 s6, s25;
	s15 =	sand.u32 @!p1 s15, s23;
	s26 =	smov.u32 s4  }
0x38: {  	s4 =	smov.u32 s20;
	s2 =	simm.s32 @p2 $0x1;
	s0 =	sxor.u32 @!p1 $0xFFFFFFFF, s0  }
0x39: {  	s0 =	sadd.s32 @!p1 s0, s2;
	s2 =	smov.u32 s25;
	s25 =	smov.u32 s14  }
0x3a: {  	s14 =	smov.u32 s19;
	p2 =	sgt.s32 @!p1 s0, $0x0;
	s2 =	simm.s32 @p3 $0x2  }
0x3b: {  	s0 =	ssub.s32 @!p1 $0x1, s0;
	p2 =	por !p2, p1;
	s2 =	ssub.s32 @!p1 s2, s6  }
0x3c: {  	s0 =	simm.s32 @!p2 $0x0;
	p2 =	sgt.s32 @!p1 s24, $0xDF;
	s6 =	sadd.s32 @!p1 $0xFFFFFFFE, s2  }
0x3d: {  	s2 =	ssub.s32 @!p1 $0x3, s2;
	p2 =	por !p2, p1;
	p3 =	sgt.s32 @!p1 s6, $0x0  }
0x3e: {  	s6 =	sand.u32 @!p1 s12, s24;
	s12 =	smov.u32 s23;
	s10 =	simm.s32 @p2 $0xDF  }
0x3f: {  	s24 =	smov.u32 s5;
	p2 =	por !p3, p1;
	s6 =	ssub.s32 @!p1 s10, s6  }
0x40: {  	s2 =	simm.s32 @!p2 $0x0;
	p2 =	sgt.s32 @!p1 s22, $0x60;
	s10 =	sadd.s32 @!p1 $0xFFFFFF21, s6  }
0x41: {  	s0 =	smul.u32 @!p1 s0, s2;
	p2 =	por !p2, p1;
	s2 =	smov.u32 s22  }
0x42: {  	s6 =	ssub.s32 @!p1 $0xE0, s6;
	s2 =	simm.s32 @p2 $0x60;
	p2 =	sgt.s32 @!p1 s23, $0x80  }
0x43: {  	p3 =	sgt.s32 @!p1 s10, $0x0;
	s10 =	sshra.s32 @!p1 s22, $0x1F;
	p2 =	por !p2, p1  }
0x44: {  	s10 =	sand.u32 @!p1 s10, s22;
	s22 =	sadd.s32 $0x8, s17;
	s12 =	simm.s32 @p2 $0x80  }
0x45: {  	p2 =	por !p3, p1;
	s2 =	ssub.s32 @!p1 s2, s10;
	s10 =	ssub.s32 @!p1 s12, s15  }
0x46: {  	s6 =	simm.s32 @!p2 $0x0;
	s12 =	sadd.s32 @!p1 $0xFFFFFFA0, s2;
	s15 =	sadd.s32 @!p1 $0xFFFFFF80, s10  }
0x47: {  	s10 =	ssub.s32 @!p1 $0x100, s10;
	p2 =	sgt.s32 @!p1 s15, $0x7F;
	s15 =	sadd.s32 $0x80, s16  }
0x48: {  	p4 =	sgt.s32 @!p1 s12, $0x7F;
	p3 =	por !p2, p1;
	p2 =	sgt.s32 s15, $0xDF  }
0x49: {  	s12 =	smov.u32 s18;
	s10 =	simm.s32 @!p3 $0x0;
	s27 =	smov.u32 @p2 s22  }
0x4a: {  	s0 =	smul.u32 @!p1 s10, s0;
	p3 =	sgt.s32 s27, $0xDF;
	s10 =	sadd.s32 $0x100, s18  }
0x4b: {  	s2 =	ssub.s32 @!p1 $0xE0, s2;
	p4 =	por !p4, p1;
	s12 =	smov.u32 @p3 s10  }
0x4c: {  	s0 =	smul.u32 @!p1 s6, s0;
	p5 =	sgt.s32 s12, $0xFF;
	s6 =	simm.s32 $0x1  }
0x4d: {  	s5 =	smov.u32 s17;
	s2 =	simm.s32 @!p4 $0x0;
	s6 =	simm.s32 @!p5 $0x0  }
0x4e: {  	s15 =	simm.s32 @p2 $0x0;
	s0 =	smul.u32 @!p1 s2, s0;
	s2 =	sadd.s32 s6, s19  }
0x4f: {  	s10 =	smov.u32 s20;
	s6 =	sadd.s32 $0x2, s20;
	p2 =	sgt.s32 s2, $0x2  }
0x50: {  	s23 =	smov.u32 s13;
	s13 =	smov.u32 s18;
	s10 =	smov.u32 @p2 s6  }
0x51: {  	s22 =	smov.u32 s11;
	s2 =	simm.s32 @p2 $0x0;
	p2 =	sgt.s32 s10, $0x1  }
0x52: {  	s11 =	smov.u32 s16;
	s10 =	smov.u32 @p2 s1;
	p2 =	sne.s32 s21, s9  }
.Ltmp1:
0x53: {  	s16 =	smov.u32 s15;
	s27 =	smov.u32 @p3 s8;
	(pc) =	sbr.rel @!p2 .LBB1_6-.Ltmp1, $4  }
0x54: {  	s12 =	smov.u32 @p5 s3;
	s0 =	sand.u32 @!p1 $0x3FFFFFFF, s0;
	s6 =	simm.s32 @!p1 $0x2  }
0x55: {  	s17 =	smov.u32 s27;
	s18 =	smov.u32 s12;
	_ =	swait.ge @!p1 [sflag:s6], s0  }
0x56: {  	s0 =	ssub.s32 @!p1 $0x0, s0;
	s19 =	smov.u32 s2;
	[sflag:s6] =	ssyncset.done @!p1 $0x0  }
0x57: {  	s21 =	sadd.s32 $0x1, s21;
	[sflag:s6] =	ssyncadd.s32 @!p1 s0;
	s20 =	smov.u32 s10  }
.LBB1_1:
0x58: {  	p1 =	sge.u32 s21, s7  }
0x59: {  	s2 =	sshll.u32 @!p1 s17, $0x8;
	s27 =	sshll.u32 @!p1 s16, $0x3  }
0x5a: {  	s28 =	sshll.u32 @!p1 s17, $0x7;
	s2 =	sand.u32 @!p1 $0xFFFFF800, s2;
	s27 =	sand.u32 @!p1 $0xFFFFFC00, s27  }
0x5b: {  	s2 =	sadd.s32 @!p1 s2, s27;
	s27 =	sand.u32 @!p1 $0x300, s28  }
0x5c: {  	s6 =	rddreg [dreg:$0x3];
	s30 =	smul.u32 @!p1 $0x540000, s20;
	s2 =	sor.u32 @!p1 s27, s2  }
0x5d: {  	s29 =	sxor.u32 @!p1 $0xFFFFFFFF, s21;
	s0 =	smul.u32 @!p1 $0x1C0000, s19;
	s2 =	sshrl.u32 @!p1 s2, $0x8  }
0x5e: {  	s31 =	sand.u32 @!p1 $0x78, s16;
	s28 =	sand.u32 @!p1 $0x80, s28;
	s27 =	smulhi.u32 @!p1 $0x124924A, s2  }
0x5f: {  	s30 =	sadd.s32 @!p1 s6, s30;
	s28 =	sor.u32 @!p1 s31, s28;
	s31 =	smul.u32 @!p1 $0x1C00, s18  }
0x60: {  	s29 =	sshll.u32 @!p1 s29, $0xE;
	s0 =	sadd.s32 @!p1 s0, s30;
	s27 =	smul.u32 @!p1 $0xE0, s27  }
0x61: {  	s28 =	sshrl.u32 @!p1 s28, $0x3;
	s0 =	sadd.s32 @!p1 s31, s0;
	s31 =	sadd.s32 $0xFFFFFFFF, s21  }
0x62: {  	s2 =	ssub.s32 @!p1 s2, s27;
	s27 =	sand.u32 @!p1 $0x4000, s29;
	s29 =	sand.u32 @!p1 $0x7, s16  }
0x63: {  	s0 =	sadd.s32 @!p1 s28, s0;
	s2 =	sshll.u32 @!p1 s2, $0x5;
	s28 =	sshll.u32 @!p1 s29, $0x12  }
0x64: {  	s0 =	sadd.s32 @!p1 s2, s0;
	s2 =	sor.u32 @!p1 $0x80, s28;
	s28 =	simm.s32 @!p1 $0xE000  }
0x65: {  	[tilespmem:s27], [sflag:$0x1] =	stream.strided.gather @!p1 [hbm4b:s0+s2], $0x4000, s28, s2, $0x38;
	[tilespmem:$0x10100] =	vst v63  }
0x66: {  	p1 =	sge.u32 s31, s7  }
.Ltmp2:
0x67: {  	_ = 	snop;
	(pc) =	sbr.rel @p1 .LBB1_5-.Ltmp2, $1  }
0x68: {  	_ =	sdelay $0x3  }
0x69: {  	s0 =	simm.s32 $0x1;
	s6 =	simm.s32 $0x1  }
0x6a: {  	s0 =	simm.s32 @!p0 $0x0;
	_ =	swait.ge [sflag:s6], $0x4000  }
0x6b: {  	s2 =	sshll.u32 s0, $0xE;
	[sflag:s6] =	ssyncset.done $0x0  }
0x6c: {  	s2 =	sor.u32 $0x40, s2;
	[sflag:s6] =	ssyncadd.s32 $0xFFFFC000  }
0x6d: {  	s0 =	smul.u32 $0x10200, s0;
	v0 =	vld [tilespmem:s2+$0x30]  }
0x6e: {  	v1 =	vld [tilespmem:s2+$0xFFFFFFD0]  }
0x6f: {  	s0 =	sshrl.u32 s0, $0x2;
	v5 =	vld [tilespmem:s2+$0xFFFFFFE0]  }
0x70: {  	v6 =	vld [tilespmem:s2+$0xFFFFFFF0];
	s30 =	sor.u32 $0x8000, s0  }
0x71: {  	s15 =	sand.u32 $0x1, s21;
	v4 =	vld [tilespmem:s2+$0x0];
	s29 =	sadd.s32 $0x0, s30  }
0x72: {  	v3 =	vld [tilespmem:s2+$0x10];
	s0 =	smul.u32 $0x10200, s15;
	[tilespmem:s29+$0x3870 ss:$0x81] =	vst.msk $0xffff, v0  }
0x73: {  	v2 =	vld [tilespmem:s2+$0x20];
	[tilespmem:s29+$0x810 ss:$0x81] =	vst.msk $0xffff, v1  }
0x74: {  	s28 =	sadd.s32 $0x80, s2;
	s0 =	sshrl.u32 s0, $0x2;
	v1 =	vld [tilespmem:s2+$0xFFFFFFC0];
	[tilespmem:s29+$0x1020 ss:$0x81] =	vst.msk $0xffff, v5  }
0x75: {  	s31 =	simm.s32 $0x4;
	s27 =	sor.u32 $0x8000, s0;
	v0 =	vld [tilespmem:s28+$0x30];
	s2 =	simm.s32 $0x8;
	[tilespmem:s29+$0x1830 ss:$0x81] =	vst.msk $0xffff, v6  }
.LBB1_3:
0x76: {  	p1 =	sne.s32 s2, $0x1FC;
	v5 =	vld [tilespmem:s28+$0xFFFFFFD0];
	[tilespmem:s29+$0x2040 ss:$0x81] =	vst.msk $0xffff, v4  }
0x77: {  	v6 =	vld [tilespmem:s28+$0xFFFFFFE0];
	[tilespmem:s29+$0x2850 ss:$0x81] =	vst.msk $0xffff, v3  }
0x78: {  	s0 =	sshra.s32 s31, $0x2;
	s31 =	smov.u32 s2;
	v7 =	vld [tilespmem:s28+$0xFFFFFFF0];
	[tilespmem:s29+$0x3060 ss:$0x81] =	vst.msk $0xffff, v2  }
.Ltmp3:
0x79: {  	v4 =	vld [tilespmem:s28+$0x0];
	[tilespmem:s29+$0x0 ss:$0x81] =	vst.msk $0xffff, v1;
	s29 =	sadd.s32 s0, s30;
	(pc) =	sbr.rel @p1 .LBB1_3-.Ltmp3, $4  }
0x7a: {  	v3 =	vld [tilespmem:s28+$0x10];
	[tilespmem:s29+$0x3870 ss:$0x81] =	vst.msk $0xffff, v0  }
0x7b: {  	[tilespmem:s29+$0x810 ss:$0x81] =	vst.msk $0xffff, v5;
	v2 =	vld [tilespmem:s28+$0x20]  }
0x7c: {  	v1 =	vld [tilespmem:s28+$0xFFFFFFC0];
	[tilespmem:s29+$0x1020 ss:$0x81] =	vst.msk $0xffff, v6;
	s28 =	sadd.s32 $0x80, s28  }
0x7d: {  	s2 =	sadd.s32 $0x4, s2;
	v0 =	vld [tilespmem:s28+$0x30];
	[tilespmem:s29+$0x1830 ss:$0x81] =	vst.msk $0xffff, v7  }
.Ltmp4:
0x7e: {  	_ = 	snop;
	(pc) =	sbr.rel .LBB1_4-.Ltmp4, $1  }
0x7f: {  	_ =	sdelay $0x3  }
.LBB1_6:
0x80: {  	_ =	sfence.sel $0x180000  }
0x81: {  	s0 =	simm.s32 $0x1;
	[bflag:$0x0] =	sbarrier.arrive $0xFFFF  }
0x82: {  	s30 =	simm.s32 $0x2;
	[sflag:s0] =	ssyncpa.u1 $0x1  }
0x83: {  	[sflag:s30] =	ssyncpa.u1 $0x1  }
0x84: {  	_ =	strace $0x90000050  }
0x85: {  	s31 =	stileid.u32;
	[bflag:$0x2] =	sbarrier.arrive $0xFFFF  }
0x86: {  	p0 =	sne.s32 s31, $0x0;
	s0 =	rddreg [dreg:$0x2]  }
0x87: {  	s0 =	sadd.s32 @!p0 $0x100000, s0  }
0x88: {  	[sflag:s0] =	ssyncadd.tile.s32 @!p0 $0x1;
	_ =	shalt  }
.Lfunc_end1:
_tile_overlayer_lowered:
.L_overlay_start_2:
0x89: {  	(tag) =	ssettag $0x2  }
0x8a: {  	s0 =	rddreg [dreg:$0x0];
	s2 =	stileid.u32  }
0x8b: {  	s1 =	rddreg [dreg:$0x1];
	p0 =	sne.s32 s2, $0x0  }
0x8c: {  	s3 =	rddreg [dreg:$0x2];
	[bflag:$0x3] =	sbarrier.arrive $0xFFFF;
	s2 =	simm.s32 @!p0 $0x1C01  }
0x8d: {  	[timem:s3], [sflag:s2] =	dma.local @!p0 [hbm:s0], s1  }
0x8e: {  	s0 =	simm.s32 @!p0 $0x1  }
0x8f: {  	_ =	swait.ge @!p0 [sflag:s0], s1  }
0x90: {  	s1 =	ssub.s32 @!p0 $0x0, s1;
	[sflag:s0] =	ssyncset.done @!p0 $0x0  }
0x91: {  	[sflag:s0] =	ssyncadd.s32 @!p0 s1  }
0x92: {  	[bflag:$0x3] =	sbarrier.arrive $0xFFFF  }
0x93: {  	_ =	shalt  }

</sc_bundles>
